<compile_context>
chip_gen: v7x
topology: tpu7x:2x2x1
jax: 0.10.2.dev20260603
libtpu: 0.0.44.dev20260713+nightly
codegen_flags: <defaults>
</compile_context>

<pallas_src>
import functools

import jax
import jax.numpy as jnp
from jax import lax
from jax.experimental import pallas as pl
from jax.experimental.pallas import tpu as pltpu
from jax.experimental.pallas import tpu_sc as plsc

N = 10000
E = 160000
D = 268

NC = 2
NS = 16
NW = NC * NS

NP = 10240
SEG = NP // NS
FH = 134
FP = 160
DP = 384
EPW = 5120
EP = EPW * NW
K = 256
KB = 10
EPT = EP // NS
BN = 512
BN2 = 1024
_PAD_SPREAD = NP - N

_mesh = plsc.VectorSubcoreMesh(core_axis_name="c", subcore_axis_name="s")



@functools.partial(
    pl.kernel,
    out_type=jax.ShapeDtypeStruct((NC * NP,), jnp.float32),
    mesh=_mesh,
    scratch_types=[
        pltpu.VMEM((EPW,), jnp.int32),
        pltpu.VMEM((EPW,), jnp.float32),
        pltpu.VMEM_SHARED((NP,), jnp.float32),
    ],
)
def _deg_kernel(dstp, zeros1, onesw, out, idx_v, ones_v, acc):
    c = lax.axis_index("c")
    s = lax.axis_index("s")
    w = s * NC + c
    pltpu.sync_copy(zeros1.at[pl.ds(s * SEG, SEG)], acc.at[pl.ds(s * SEG, SEG)])
    pltpu.sync_copy(onesw, ones_v)
    pltpu.sync_copy(dstp.at[pl.ds(w * EPW, EPW)], idx_v)
    plsc.subcore_barrier()
    pltpu.sync_copy(ones_v, acc.at[idx_v], add=True)
    plsc.subcore_barrier()
    pltpu.sync_copy(acc.at[pl.ds(s * SEG, SEG)],
                    out.at[pl.ds(c * NP + s * SEG, SEG)])



@functools.partial(
    pl.kernel,
    out_type=jax.ShapeDtypeStruct((NC * NP, FP), jnp.bfloat16),
    mesh=_mesh,
    compiler_params=pltpu.CompilerParams(use_tc_tiling_on_sc=False),
    scratch_types=[
        pltpu.VMEM((KB * K,), jnp.int32),
        pltpu.VMEM((K,), jnp.int32),
        pltpu.VMEM((K,), jnp.int32),
        pltpu.VMEM((K, FP), jnp.bfloat16),
        pltpu.VMEM((K, FP), jnp.bfloat16),
        pltpu.VMEM_SHARED((NP, FP), jnp.bfloat16),
        pltpu.SemaphoreType.DMA,
        pltpu.SemaphoreType.DMA,
        pltpu.SemaphoreType.DMA,
        pltpu.SemaphoreType.DMA,
    ],
)
def _conv_kernel(xs2, src2, dstp, out, idx_sb, idx_d0, idx_d1,
                 rows0, rows1, acc, gsem0, gsem1, ssem0, ssem1):
    c = lax.axis_index("c")
    s = lax.axis_index("s")
    idx_d = (idx_d0, idx_d1)
    rows = (rows0, rows1)
    gsem = (gsem0, gsem1)
    ssem = (ssem0, ssem1)
    nch = EPT // K
    base = s * EPT

    pltpu.sync_copy(xs2.at[pl.ds(c * NP + s * SEG, SEG), :],
                    acc.at[pl.ds(s * SEG, SEG), :])
    plsc.subcore_barrier()

    pltpu.sync_copy(src2.at[pl.ds(c * EP + base, KB * K)], idx_sb)
    pltpu.async_copy(xs2.at[idx_sb.at[pl.ds(0, K)]], rows[0], gsem[0])

    def outer(go, carry):
        for b in (0, 1):
            g = go * 2 + b
            cur, nxt = b, 1 - b
            gn = g + 1

            pltpu.sync_copy(dstp.at[pl.ds(base + g * K, K)], idx_d[cur])
            pltpu.make_async_copy(
                xs2.at[idx_sb.at[pl.ds((g % KB) * K, K)]], rows[cur],
                gsem[cur]).wait()

            @pl.when(gn < nch)
            def _():
                @pl.when(gn % KB == 0)
                def _():
                    pltpu.sync_copy(
                        src2.at[pl.ds(c * EP + base + gn * K, KB * K)],
                        idx_sb)

                @pl.when(g >= 1)
                def _():
                    pltpu.make_async_copy(rows[nxt], acc.at[idx_d[nxt]],
                                          ssem[nxt]).wait()

                pltpu.async_copy(xs2.at[idx_sb.at[pl.ds((gn % KB) * K, K)]],
                                 rows[nxt], gsem[nxt])

            pltpu.async_copy(rows[cur], acc.at[idx_d[cur]], ssem[cur],
                             add=True)
        return carry

    lax.fori_loop(0, nch // 2, outer, 0)
    pltpu.make_async_copy(rows[0], acc.at[idx_d[0]], ssem[0]).wait()
    pltpu.make_async_copy(rows[1], acc.at[idx_d[1]], ssem[1]).wait()
    plsc.subcore_barrier()
    pltpu.sync_copy(acc.at[pl.ds(s * SEG, SEG), :],
                    out.at[pl.ds(c * NP + s * SEG, SEG), :])



@functools.partial(
    pl.kernel,
    out_type=jax.ShapeDtypeStruct((NC * NP,), jnp.float32),
    mesh=_mesh,
    compiler_params=pltpu.CompilerParams(needs_layout_passes=False),
    scratch_types=[
        pltpu.VMEM((EPW,), jnp.int32),
        pltpu.VMEM((EPW,), jnp.int32),
        pltpu.VMEM((EPW,), jnp.float32),
        pltpu.VMEM((NP,), jnp.float32),
        pltpu.VMEM_SHARED((NP,), jnp.float32),
        pltpu.SemaphoreType.DMA,
    ],
)
def _sconv_kernel(sxs, src2, dstp, zeros1, out, idx_s, idx_d, vals, tab, acc,
                  sem):
    c = lax.axis_index("c")
    s = lax.axis_index("s")
    w = s * NC + c
    pltpu.sync_copy(zeros1.at[pl.ds(s * SEG, SEG)], acc.at[pl.ds(s * SEG, SEG)])
    pltpu.async_copy(sxs, tab, sem)
    pltpu.sync_copy(src2.at[pl.ds(w * EPW, EPW)], idx_s)
    pltpu.sync_copy(dstp.at[pl.ds(w * EPW, EPW)], idx_d)
    pltpu.make_async_copy(sxs, tab, sem).wait()

    def gat(j, carry):
        iv = idx_s[pl.ds(j * 16, 16)]
        vals[pl.ds(j * 16, 16)] = plsc.load_gather(tab, [iv])
        return carry

    lax.fori_loop(0, EPW // 16, gat, 0)
    plsc.subcore_barrier()
    pltpu.sync_copy(vals, acc.at[idx_d], add=True)
    plsc.subcore_barrier()
    pltpu.sync_copy(acc.at[pl.ds(s * SEG, SEG)],
                    out.at[pl.ds(c * NP + s * SEG, SEG)])



def _dinv_col(dg):
    tot = dg[0:1, :] + dg[1:2, :] + 1.0
    return jnp.transpose(lax.rsqrt(tot), (1, 0))


def _scale_body(x_ref, deg_ref, xs_ref):
    dv = _dinv_col(deg_ref[...])
    zpad = jnp.zeros((BN2, FP - FH), jnp.float32)
    xa = jnp.concatenate([x_ref[:, :FH], zpad], axis=1)
    xb = jnp.concatenate([x_ref[:, FH:], zpad[:, :FP - (D - FH)]], axis=1)
    xs_ref[...] = (jnp.stack([xa, xb]) * dv[None, :, :]).astype(jnp.bfloat16)


def _scale_call(x, degf2):
    return pl.pallas_call(
        _scale_body,
        grid=(NP // BN2,),
        in_specs=[
            pl.BlockSpec((BN2, D), lambda n: (n, 0)),
            pl.BlockSpec((2, BN2), lambda n: (0, n)),
        ],
        out_specs=pl.BlockSpec((NC, BN2, FP), lambda n: (0, n, 0)),
        out_shape=jax.ShapeDtypeStruct((NC, NP, FP), jnp.bfloat16),
    )(x, degf2)



def _mm_body(aga_ref, agb_ref, deg_ref, w1a_ref, w1b_ref, b1_ref, w2r_ref,
             g1_ref, bt1_ref, sxs_ref, h_s, st_s):
    p = pl.program_id(0)
    n = pl.program_id(1)
    dv = _dinv_col(deg_ref[...])
    rows = n * BN + lax.broadcasted_iota(jnp.int32, (BN, 1), 0)

    @pl.when(p == 0)
    def _():
        pa = aga_ref[0].astype(jnp.float32) * dv
        pb = agb_ref[0].astype(jnp.float32) * dv
        pre = (jnp.dot(pa, w1a_ref[...], preferred_element_type=jnp.float32)
               + jnp.dot(pb, w1b_ref[...], preferred_element_type=jnp.float32)
               + b1_ref[...])
        h = jnp.where(rows < N, jnp.maximum(pre, 0.0), 0.0)
        h_s[pl.ds(n * BN, BN), :] = h
        st = jnp.concatenate(
            [jnp.sum(h, axis=0, keepdims=True),
             jnp.sum(h * h, axis=0, keepdims=True)], axis=0)

        @pl.when(n == 0)
        def _():
            st_s[...] = st

        @pl.when(n > 0)
        def _():
            st_s[...] = st_s[...] + st

    @pl.when(p == 1)
    def _():
        st = st_s[...]
        mean = st[0:1, :] / float(N)
        var = st[1:2, :] / float(N) - mean * mean
        inv = lax.rsqrt(var + 1e-3)
        h = h_s[pl.ds(n * BN, BN), :]
        hb = jnp.maximum(g1_ref[...] * (h - mean) * inv + bt1_ref[...], 0.0)
        sv = jnp.sum(hb * w2r_ref[...], axis=1, keepdims=True)
        sv = jnp.where(rows < N, sv * dv, 0.0)
        sxs_ref[...] = jnp.transpose(sv, (1, 0))[None]


def _mm_call(agg, degf2, w1a, w1b, b1p, w2r, g1p, bt1p):
    return pl.pallas_call(
        _mm_body,
        grid=(2, NP // BN),
        in_specs=[
            pl.BlockSpec((1, BN, FP), lambda p, n: (0, n * (1 - p), 0)),
            pl.BlockSpec((1, BN, FP), lambda p, n: (1, n * (1 - p), 0)),
            pl.BlockSpec((2, BN), lambda p, n: (0, n)),
            pl.BlockSpec((FP, DP), lambda p, n: (0, 0)),
            pl.BlockSpec((FP, DP), lambda p, n: (0, 0)),
            pl.BlockSpec((1, DP), lambda p, n: (0, 0)),
            pl.BlockSpec((1, DP), lambda p, n: (0, 0)),
            pl.BlockSpec((1, DP), lambda p, n: (0, 0)),
            pl.BlockSpec((1, DP), lambda p, n: (0, 0)),
        ],
        out_specs=pl.BlockSpec((1, 1, BN), lambda p, n: (n, 0, 0)),
        out_shape=jax.ShapeDtypeStruct((NP // BN, 1, BN), jnp.float32),
        scratch_shapes=[
            pltpu.VMEM((NP, DP), jnp.float32),
            pltpu.VMEM((2, DP), jnp.float32),
        ],
    )(agg, agg, degf2, w1a, w1b, b1p, w2r, g1p, bt1p)



def _fin_body(sxs_ref, ag2_ref, deg_ref, b2_ref, g2_ref, bt2_ref, out_ref):
    dg = deg_ref[...]
    dinv = lax.rsqrt(dg[0] + dg[1] + 1.0)
    z = dinv * (sxs_ref[...] + ag2_ref[0] + ag2_ref[1]) + b2_ref[0, 0]
    r = lax.broadcasted_iota(jnp.int32, z.shape, 0)
    col = lax.broadcasted_iota(jnp.int32, z.shape, 1)
    valid = (r * 128 + col) < N
    zm = jnp.where(valid, z, 0.0)
    mean = jnp.sum(zm) / float(N)
    var = jnp.sum(jnp.where(valid, (z - mean) ** 2, 0.0)) / float(N)
    zn = g2_ref[0, 0] * (z - mean) * lax.rsqrt(var + 1e-3) + bt2_ref[0, 0]
    out_ref[...] = jax.nn.sigmoid(jnp.maximum(zn, 0.0))


def _fin_call(sxs2d, ag2, deg3, b2, g2, bt2):
    return pl.pallas_call(
        _fin_body,
        out_shape=jax.ShapeDtypeStruct((NP // 128, 128), jnp.float32),
    )(sxs2d, ag2, deg3, b2, g2, bt2)



def kernel(x, edge_index, edge_attr, W1, b1, gamma1, beta1, W2, b2, gamma2,
           beta2):
    f32 = jnp.float32
    src = edge_index[0]
    dst = edge_index[1]

    pad = N + (jnp.arange(EP - E, dtype=jnp.int32) % _PAD_SPREAD)
    srcp = jnp.concatenate([src, pad])
    dstp = jnp.concatenate([dst, pad])
    src2 = jnp.concatenate([srcp, srcp + NP])

    w1a = jnp.zeros((FP, DP), f32).at[:FH, :D].set(W1[:FH])
    w1b = jnp.zeros((FP, DP), f32).at[:D - FH, :D].set(W1[FH:])
    b1p = jnp.zeros((1, DP), f32).at[0, :D].set(b1)
    g1p = jnp.zeros((1, DP), f32).at[0, :D].set(gamma1)
    bt1p = jnp.zeros((1, DP), f32).at[0, :D].set(beta1)
    w2r = jnp.zeros((1, DP), f32).at[0, :D].set(W2[:, 0])

    zeros1 = jnp.zeros((NP,), f32)
    onesw = jnp.ones((EPW,), f32)

    degf = _deg_kernel(dstp, zeros1, onesw)
    degf2 = degf.reshape(NC, NP)

    xs2v = _scale_call(x, degf2)

    agg = _conv_kernel(xs2v.reshape(NC * NP, FP), src2, dstp)
    agg = agg.reshape(NC, NP, FP)

    sxs = _mm_call(agg, degf2, w1a, w1b, b1p, w2r, g1p, bt1p)

    agg2 = _sconv_kernel(sxs.reshape(NP), src2, dstp, zeros1)

    out2d = _fin_call(
        sxs.reshape(NP // 128, 128),
        agg2.reshape(NC, NP // 128, 128),
        degf.reshape(NC, NP // 128, 128),
        b2.reshape(1, 1), gamma2.reshape(1, 1), beta2.reshape(1, 1))
    return out2d.reshape(NP, 1)[:N]

# --- scband reference (transcript-rebuilt; emitter-appended) ---
"""Pipeline reference for scband-discriminator2-56358560858129 (READ-ONLY COPY).

The authoritative reference and input builder live on the scoring server;
editing this copy changes nothing except your own understanding.
"""

import jax, jax.numpy as jnp
import numpy as np

N = 10000
E = 160000
D = 268


def setup_inputs(seed: int = 0) -> dict:
    key = jax.random.key(seed)
    ks = jax.random.split(key, 8)
    x = jax.random.normal(ks[0], (N, D), dtype=jnp.float32)
    edge_index = jax.random.randint(ks[1], (2, E), 0, N, dtype=jnp.int32)
    edge_attr = jax.random.normal(ks[2], (E, 4), dtype=jnp.float32)
    W1 = jax.random.normal(ks[3], (D, D), dtype=jnp.float32) * 0.05
    b1 = jnp.zeros((D,), dtype=jnp.float32)
    gamma1 = jnp.ones((D,), dtype=jnp.float32)
    beta1 = jnp.zeros((D,), dtype=jnp.float32)
    W2 = jax.random.normal(ks[4], (D, 1), dtype=jnp.float32) * 0.05
    b2 = jnp.zeros((1,), dtype=jnp.float32)
    gamma2 = jnp.ones((1,), dtype=jnp.float32)
    beta2 = jnp.zeros((1,), dtype=jnp.float32)
    return {"x": x, "edge_index": edge_index, "edge_attr": edge_attr,
            "W1": W1, "b1": b1, "gamma1": gamma1, "beta1": beta1,
            "W2": W2, "b2": b2, "gamma2": gamma2, "beta2": beta2}


def _gcn_conv(x, edge_index, W, b):
    # GCNConv with add_self_loops=True and symmetric normalization
    n = x.shape[0]
    src = edge_index[0]
    dst = edge_index[1]
    loop = jnp.arange(n, dtype=src.dtype)
    src = jnp.concatenate([src, loop])
    dst = jnp.concatenate([dst, loop])
    deg = jnp.zeros((n,), dtype=x.dtype).at[dst].add(1.0)
    dinv = jnp.where(deg > 0, 1.0 / jnp.sqrt(deg), 0.0)
    norm = dinv[src] * dinv[dst]
    h = x @ W
    msg = h[src] * norm[:, None]
    out = jnp.zeros((n, h.shape[1]), dtype=x.dtype).at[dst].add(msg)
    return out + b


def _batch_norm(x, gamma, beta, eps=1e-3):
    # training-mode batch norm over the node dimension (biased variance)
    mean = jnp.mean(x, axis=0)
    var = jnp.mean((x - mean) ** 2, axis=0)
    return gamma * (x - mean) / jnp.sqrt(var + eps) + beta


def reference(x, edge_index, edge_attr, W1, b1, gamma1, beta1, W2, b2, gamma2, beta2):
    # edge_attr is extracted in the original forward but never used
    h = jnp.squeeze(x)
    h = jax.nn.relu(_gcn_conv(h, edge_index, W1, b1))
    h = jax.nn.relu(_batch_norm(h, gamma1, beta1))
    # F.dropout treated as identity (deterministic reference)
    h2 = jax.nn.relu(_batch_norm(_gcn_conv(h, edge_index, W2, b2), gamma2, beta2))
    return jax.nn.sigmoid(h2)

if __name__ == "__main__":
    import jax
    _d = setup_inputs()
    print(jax.jit(kernel)(*tuple(_d.values())))

</pallas_src>

<mosaic_0001>
#map = affine_map<(d0, d1) -> (0)>
module attributes {stable_mosaic.version = 14 : i64} {
  func.func @_sconv_kernel(%arg0: i32, %arg1: i32, %arg2: memref<10240xf32, #tpu.memory_space<hbm>>, %arg3: memref<327680xi32, #tpu.memory_space<hbm>>, %arg4: memref<163840xi32, #tpu.memory_space<hbm>>, %arg5: memref<10240xf32, #tpu.memory_space<hbm>>, %arg6: memref<20480xf32, #tpu.memory_space<hbm>>, %arg7: memref<5120xi32, #tpu.memory_space<vmem>>, %arg8: memref<5120xi32, #tpu.memory_space<vmem>>, %arg9: memref<5120xf32, #tpu.memory_space<vmem>>, %arg10: memref<10240xf32, #tpu.memory_space<vmem>>, %arg11: memref<10240xf32, #tpu.memory_space<vmem_shared>>, %arg12: memref<!tpu.dma_semaphore, #tpu.memory_space<semaphore_mem>>) attributes {dimension_semantics = [#tpu.dimension_semantics<core_parallel>, #tpu.dimension_semantics<subcore_parallel>], iteration_bounds = array<i64: 2, 16>, scalar_prefetch = 0 : i64, scratch_operands = 6 : i64, tpu.core_type = #tpu.core_type<sc_vector_subcore>, window_params = [{transform_indices = #map}, {transform_indices = #map}, {transform_indices = #map}, {transform_indices = #map}, {transform_indices = #map}]} {
    %mul3A = arith.constant 2 : i32
    %mul3A_0 = arith.muli %arg1, %mul3A : i32
    %add3A = arith.addi %mul3A_0, %arg0 : i32
    %mul3A_1 = arith.constant 640 : i32
    %mul3A_2 = arith.muli %arg1, %mul3A_1 : i32
    %mul3A_3 = arith.constant 640 : i32
    %mul3A_4 = arith.muli %arg1, %mul3A_3 : i32
    "tpu.region"() ({
      %run_scoped3A = tpu.sem_alloc : memref<!tpu.dma_semaphore, #tpu.memory_space<semaphore_mem>>
      %dma_start3A = tpu.memref_slice %arg11[%mul3A_4] : memref<10240xf32, #tpu.memory_space<vmem_shared>> -> memref<640xf32, #tpu.memory_space<vmem_shared>>
      %dma_start3A_22 = tpu.memref_slice %arg5[%mul3A_2] : memref<10240xf32, #tpu.memory_space<hbm>> -> memref<640xf32, #tpu.memory_space<hbm>>
      tpu.enqueue_dma source(%dma_start3A_22 : memref<640xf32, #tpu.memory_space<hbm>>) target(%dma_start3A : memref<640xf32, #tpu.memory_space<vmem_shared>>) target_semaphore(%run_scoped3A : memref<!tpu.dma_semaphore, #tpu.memory_space<semaphore_mem>>)
      %dma_wait3A = tpu.memref_slice %arg11[%mul3A_4] : memref<10240xf32, #tpu.memory_space<vmem_shared>> -> memref<640xf32, #tpu.memory_space<vmem_shared>>
      %dma_wait3A_23 = tpu.memref_slice %arg5[%mul3A_2] : memref<10240xf32, #tpu.memory_space<hbm>> -> memref<640xf32, #tpu.memory_space<hbm>>
      tpu.wait_dma2 semaphore(%run_scoped3A : memref<!tpu.dma_semaphore, #tpu.memory_space<semaphore_mem>>) src(%dma_wait3A_23 : memref<640xf32, #tpu.memory_space<hbm>>) dst(%dma_wait3A : memref<640xf32, #tpu.memory_space<vmem_shared>>)
      tpu.yield
    }) : () -> ()
    tpu.enqueue_dma source(%arg2 : memref<10240xf32, #tpu.memory_space<hbm>>) target(%arg10 : memref<10240xf32, #tpu.memory_space<vmem>>) target_semaphore(%arg12 : memref<!tpu.dma_semaphore, #tpu.memory_space<semaphore_mem>>)
    %mul3A_5 = arith.constant 5120 : i32
    %mul3A_6 = arith.muli %add3A, %mul3A_5 : i32
    "tpu.region"() ({
      %run_scoped3A = tpu.sem_alloc : memref<!tpu.dma_semaphore, #tpu.memory_space<semaphore_mem>>
      %dma_start3A = tpu.memref_slice %arg3[%mul3A_6] : memref<327680xi32, #tpu.memory_space<hbm>> -> memref<5120xi32, #tpu.memory_space<hbm>>
      %dma_start3A_22 = tpu.memref_slice %arg3[%mul3A_6] : memref<327680xi32, #tpu.memory_space<hbm>> -> memref<5120xi32, #tpu.memory_space<hbm>>
      tpu.enqueue_dma source(%dma_start3A_22 : memref<5120xi32, #tpu.memory_space<hbm>>) target(%arg7 : memref<5120xi32, #tpu.memory_space<vmem>>) target_semaphore(%run_scoped3A : memref<!tpu.dma_semaphore, #tpu.memory_space<semaphore_mem>>)
      %dma_wait3A = tpu.memref_slice %arg3[%mul3A_6] : memref<327680xi32, #tpu.memory_space<hbm>> -> memref<5120xi32, #tpu.memory_space<hbm>>
      %dma_wait3A_23 = tpu.memref_slice %arg3[%mul3A_6] : memref<327680xi32, #tpu.memory_space<hbm>> -> memref<5120xi32, #tpu.memory_space<hbm>>
      tpu.wait_dma2 semaphore(%run_scoped3A : memref<!tpu.dma_semaphore, #tpu.memory_space<semaphore_mem>>) src(%dma_wait3A_23 : memref<5120xi32, #tpu.memory_space<hbm>>) dst(%arg7 : memref<5120xi32, #tpu.memory_space<vmem>>)
      tpu.yield
    }) : () -> ()
    %mul3A_7 = arith.constant 5120 : i32
    %mul3A_8 = arith.muli %add3A, %mul3A_7 : i32
    "tpu.region"() ({
      %run_scoped3A = tpu.sem_alloc : memref<!tpu.dma_semaphore, #tpu.memory_space<semaphore_mem>>
      %dma_start3A = tpu.memref_slice %arg4[%mul3A_8] : memref<163840xi32, #tpu.memory_space<hbm>> -> memref<5120xi32, #tpu.memory_space<hbm>>
      %dma_start3A_22 = tpu.memref_slice %arg4[%mul3A_8] : memref<163840xi32, #tpu.memory_space<hbm>> -> memref<5120xi32, #tpu.memory_space<hbm>>
      tpu.enqueue_dma source(%dma_start3A_22 : memref<5120xi32, #tpu.memory_space<hbm>>) target(%arg8 : memref<5120xi32, #tpu.memory_space<vmem>>) target_semaphore(%run_scoped3A : memref<!tpu.dma_semaphore, #tpu.memory_space<semaphore_mem>>)
      %dma_wait3A = tpu.memref_slice %arg4[%mul3A_8] : memref<163840xi32, #tpu.memory_space<hbm>> -> memref<5120xi32, #tpu.memory_space<hbm>>
      %dma_wait3A_23 = tpu.memref_slice %arg4[%mul3A_8] : memref<163840xi32, #tpu.memory_space<hbm>> -> memref<5120xi32, #tpu.memory_space<hbm>>
      tpu.wait_dma2 semaphore(%run_scoped3A : memref<!tpu.dma_semaphore, #tpu.memory_space<semaphore_mem>>) src(%dma_wait3A_23 : memref<5120xi32, #tpu.memory_space<hbm>>) dst(%arg8 : memref<5120xi32, #tpu.memory_space<vmem>>)
      tpu.yield
    }) : () -> ()
    tpu.wait_dma2 semaphore(%arg12 : memref<!tpu.dma_semaphore, #tpu.memory_space<semaphore_mem>>) src(%arg2 : memref<10240xf32, #tpu.memory_space<hbm>>) dst(%arg10 : memref<10240xf32, #tpu.memory_space<vmem>>)
    %scan3A = arith.constant 0 : i32
    %scan3A_9 = arith.constant 0 : i32
    %scan3A_10 = arith.constant 320 : i32
    %scan3A_11 = arith.addi %scan3A_9, %scan3A_10 : i32
    %scan3A_12 = arith.constant 1 : i32
    scf.for %scan3A_22 = %scan3A_9 to %scan3A_11 step %scan3A_12  : i32 {
      %mul3A_23 = arith.constant 16 : i32
      %mul3A_24 = arith.muli %scan3A_22, %mul3A_23 : i32
      %get3A = arith.index_cast %mul3A_24 : i32 to index
      %get3A_25 = tpu.vector_load %arg7[%get3A] {strides = array<i32>} : memref<5120xi32, #tpu.memory_space<vmem>>, vector<16xi32>,
      %gather3A = tpu.vector_load_idx %arg10[%get3A_25] : memref<10240xf32, #tpu.memory_space<vmem>>[vector<16xi32>], vector<16xf32>,
      %mul3A_26 = arith.constant 16 : i32
      %mul3A_27 = arith.muli %scan3A_22, %mul3A_26 : i32
      %swap3A = arith.index_cast %mul3A_27 : i32 to index
      %swap3A_28 = tpu.vector_load %arg9[%swap3A] {strides = array<i32>} : memref<5120xf32, #tpu.memory_space<vmem>>, vector<16xf32>,
      tpu.vector_store %arg9[%swap3A], %gather3A {strides = array<i32>} : memref<5120xf32, #tpu.memory_space<vmem>>, vector<16xf32>,
    }
    %scan3A_13 = arith.constant 320 : i32
    %barrier3A = arith.constant 0 : index
    tpu.barrier barrier_id(%barrier3A)
    "tpu.region"() ({
      %run_scoped3A = tpu.sem_alloc : memref<!tpu.dma_semaphore, #tpu.memory_space<semaphore_mem>>
      %dma_start3A = arith.constant 0 : i32
      %dma_start3A_22 = tpu.memref_slice %arg11[%dma_start3A] : memref<10240xf32, #tpu.memory_space<vmem_shared>> -> memref<10240xf32, #tpu.memory_space<vmem_shared>>
      tpu.enqueue_indirect_dma source(%arg9 : memref<5120xf32, #tpu.memory_space<vmem>>) target(%dma_start3A_22 : memref<10240xf32, #tpu.memory_space<vmem_shared>>) offsets(%arg8 : memref<5120xi32, #tpu.memory_space<vmem>>) semaphore(%run_scoped3A : memref<!tpu.dma_semaphore, #tpu.memory_space<semaphore_mem>>) {add = true}
      %dma_wait3A = arith.constant 0 : i32
      %dma_wait3A_23 = tpu.memref_slice %arg11[%dma_wait3A] : memref<10240xf32, #tpu.memory_space<vmem_shared>> -> memref<10240xf32, #tpu.memory_space<vmem_shared>>
      tpu.wait_indirect_dma semaphore(%run_scoped3A : memref<!tpu.dma_semaphore, #tpu.memory_space<semaphore_mem>>) src(%arg9 : memref<5120xf32, #tpu.memory_space<vmem>>) dst(%dma_wait3A_23 : memref<10240xf32, #tpu.memory_space<vmem_shared>>)
      tpu.yield
    }) : () -> ()
    %barrier3A_14 = arith.constant 0 : index
    tpu.barrier barrier_id(%barrier3A_14)
    %mul3A_15 = arith.constant 640 : i32
    %mul3A_16 = arith.muli %arg1, %mul3A_15 : i32
    %mul3A_17 = arith.constant 10240 : i32
    %mul3A_18 = arith.muli %arg0, %mul3A_17 : i32
    %mul3A_19 = arith.constant 640 : i32
    %mul3A_20 = arith.muli %arg1, %mul3A_19 : i32
    %add3A_21 = arith.addi %mul3A_18, %mul3A_20 : i32
    "tpu.region"() ({
      %run_scoped3A = tpu.sem_alloc : memref<!tpu.dma_semaphore, #tpu.memory_space<semaphore_mem>>
      %dma_start3A = tpu.memref_slice %arg6[%add3A_21] : memref<20480xf32, #tpu.memory_space<hbm>> -> memref<640xf32, #tpu.memory_space<hbm>>
      %dma_start3A_22 = tpu.memref_slice %arg11[%mul3A_16] : memref<10240xf32, #tpu.memory_space<vmem_shared>> -> memref<640xf32, #tpu.memory_space<vmem_shared>>
      tpu.enqueue_dma source(%dma_start3A_22 : memref<640xf32, #tpu.memory_space<vmem_shared>>) target(%dma_start3A : memref<640xf32, #tpu.memory_space<hbm>>) target_semaphore(%run_scoped3A : memref<!tpu.dma_semaphore, #tpu.memory_space<semaphore_mem>>)
      %dma_wait3A = tpu.memref_slice %arg6[%add3A_21] : memref<20480xf32, #tpu.memory_space<hbm>> -> memref<640xf32, #tpu.memory_space<hbm>>
      %dma_wait3A_23 = tpu.memref_slice %arg11[%mul3A_16] : memref<10240xf32, #tpu.memory_space<vmem_shared>> -> memref<640xf32, #tpu.memory_space<vmem_shared>>
      tpu.wait_dma2 semaphore(%run_scoped3A : memref<!tpu.dma_semaphore, #tpu.memory_space<semaphore_mem>>) src(%dma_wait3A_23 : memref<640xf32, #tpu.memory_space<vmem_shared>>) dst(%dma_wait3A : memref<640xf32, #tpu.memory_space<hbm>>)
      tpu.yield
    }) : () -> ()
    return
  }
}

#map = affine_map<(d0, d1) -> (0)>
module attributes {stable_mosaic.version = 14 : i64} {
  func.func @_deg_kernel(%arg0: i32, %arg1: i32, %arg2: memref<163840xi32, #tpu.memory_space<hbm>>, %arg3: memref<10240xf32, #tpu.memory_space<hbm>>, %arg4: memref<5120xf32, #tpu.memory_space<hbm>>, %arg5: memref<20480xf32, #tpu.memory_space<hbm>>, %arg6: memref<5120xi32, #tpu.memory_space<vmem>>, %arg7: memref<5120xf32, #tpu.memory_space<vmem>>, %arg8: memref<10240xf32, #tpu.memory_space<vmem_shared>>) attributes {dimension_semantics = [#tpu.dimension_semantics<core_parallel>, #tpu.dimension_semantics<subcore_parallel>], iteration_bounds = array<i64: 2, 16>, scalar_prefetch = 0 : i64, scratch_operands = 3 : i64, tpu.core_type = #tpu.core_type<sc_vector_subcore>, window_params = [{transform_indices = #map}, {transform_indices = #map}, {transform_indices = #map}, {transform_indices = #map}]} {
    %mul3A = arith.constant 2 : i32
    %mul3A_0 = arith.muli %arg1, %mul3A : i32
    %add3A = arith.addi %mul3A_0, %arg0 : i32
    %mul3A_1 = arith.constant 640 : i32
    %mul3A_2 = arith.muli %arg1, %mul3A_1 : i32
    %mul3A_3 = arith.constant 640 : i32
    %mul3A_4 = arith.muli %arg1, %mul3A_3 : i32
    "tpu.region"() ({
      %run_scoped3A = tpu.sem_alloc : memref<!tpu.dma_semaphore, #tpu.memory_space<semaphore_mem>>
      %dma_start3A = tpu.memref_slice %arg8[%mul3A_4] : memref<10240xf32, #tpu.memory_space<vmem_shared>> -> memref<640xf32, #tpu.memory_space<vmem_shared>>
      %dma_start3A_15 = tpu.memref_slice %arg3[%mul3A_2] : memref<10240xf32, #tpu.memory_space<hbm>> -> memref<640xf32, #tpu.memory_space<hbm>>
      tpu.enqueue_dma source(%dma_start3A_15 : memref<640xf32, #tpu.memory_space<hbm>>) target(%dma_start3A : memref<640xf32, #tpu.memory_space<vmem_shared>>) target_semaphore(%run_scoped3A : memref<!tpu.dma_semaphore, #tpu.memory_space<semaphore_mem>>)
      %dma_wait3A = tpu.memref_slice %arg8[%mul3A_4] : memref<10240xf32, #tpu.memory_space<vmem_shared>> -> memref<640xf32, #tpu.memory_space<vmem_shared>>
      %dma_wait3A_16 = tpu.memref_slice %arg3[%mul3A_2] : memref<10240xf32, #tpu.memory_space<hbm>> -> memref<640xf32, #tpu.memory_space<hbm>>
      tpu.wait_dma2 semaphore(%run_scoped3A : memref<!tpu.dma_semaphore, #tpu.memory_space<semaphore_mem>>) src(%dma_wait3A_16 : memref<640xf32, #tpu.memory_space<hbm>>) dst(%dma_wait3A : memref<640xf32, #tpu.memory_space<vmem_shared>>)
      tpu.yield
    }) : () -> ()
    "tpu.region"() ({
      %run_scoped3A = tpu.sem_alloc : memref<!tpu.dma_semaphore, #tpu.memory_space<semaphore_mem>>
      tpu.enqueue_dma source(%arg4 : memref<5120xf32, #tpu.memory_space<hbm>>) target(%arg7 : memref<5120xf32, #tpu.memory_space<vmem>>) target_semaphore(%run_scoped3A : memref<!tpu.dma_semaphore, #tpu.memory_space<semaphore_mem>>)
      tpu.wait_dma2 semaphore(%run_scoped3A : memref<!tpu.dma_semaphore, #tpu.memory_space<semaphore_mem>>) src(%arg4 : memref<5120xf32, #tpu.memory_space<hbm>>) dst(%arg7 : memref<5120xf32, #tpu.memory_space<vmem>>)
      tpu.yield
    }) : () -> ()
    %mul3A_5 = arith.constant 5120 : i32
    %mul3A_6 = arith.muli %add3A, %mul3A_5 : i32
    "tpu.region"() ({
      %run_scoped3A = tpu.sem_alloc : memref<!tpu.dma_semaphore, #tpu.memory_space<semaphore_mem>>
      %dma_start3A = tpu.memref_slice %arg2[%mul3A_6] : memref<163840xi32, #tpu.memory_space<hbm>> -> memref<5120xi32, #tpu.memory_space<hbm>>
      %dma_start3A_15 = tpu.memref_slice %arg2[%mul3A_6] : memref<163840xi32, #tpu.memory_space<hbm>> -> memref<5120xi32, #tpu.memory_space<hbm>>
      tpu.enqueue_dma source(%dma_start3A_15 : memref<5120xi32, #tpu.memory_space<hbm>>) target(%arg6 : memref<5120xi32, #tpu.memory_space<vmem>>) target_semaphore(%run_scoped3A : memref<!tpu.dma_semaphore, #tpu.memory_space<semaphore_mem>>)
      %dma_wait3A = tpu.memref_slice %arg2[%mul3A_6] : memref<163840xi32, #tpu.memory_space<hbm>> -> memref<5120xi32, #tpu.memory_space<hbm>>
      %dma_wait3A_16 = tpu.memref_slice %arg2[%mul3A_6] : memref<163840xi32, #tpu.memory_space<hbm>> -> memref<5120xi32, #tpu.memory_space<hbm>>
      tpu.wait_dma2 semaphore(%run_scoped3A : memref<!tpu.dma_semaphore, #tpu.memory_space<semaphore_mem>>) src(%dma_wait3A_16 : memref<5120xi32, #tpu.memory_space<hbm>>) dst(%arg6 : memref<5120xi32, #tpu.memory_space<vmem>>)
      tpu.yield
    }) : () -> ()
    %barrier3A = arith.constant 0 : index
    tpu.barrier barrier_id(%barrier3A)
    "tpu.region"() ({
      %run_scoped3A = tpu.sem_alloc : memref<!tpu.dma_semaphore, #tpu.memory_space<semaphore_mem>>
      %dma_start3A = arith.constant 0 : i32
      %dma_start3A_15 = tpu.memref_slice %arg8[%dma_start3A] : memref<10240xf32, #tpu.memory_space<vmem_shared>> -> memref<10240xf32, #tpu.memory_space<vmem_shared>>
      tpu.enqueue_indirect_dma source(%arg7 : memref<5120xf32, #tpu.memory_space<vmem>>) target(%dma_start3A_15 : memref<10240xf32, #tpu.memory_space<vmem_shared>>) offsets(%arg6 : memref<5120xi32, #tpu.memory_space<vmem>>) semaphore(%run_scoped3A : memref<!tpu.dma_semaphore, #tpu.memory_space<semaphore_mem>>) {add = true}
      %dma_wait3A = arith.constant 0 : i32
      %dma_wait3A_16 = tpu.memref_slice %arg8[%dma_wait3A] : memref<10240xf32, #tpu.memory_space<vmem_shared>> -> memref<10240xf32, #tpu.memory_space<vmem_shared>>
      tpu.wait_indirect_dma semaphore(%run_scoped3A : memref<!tpu.dma_semaphore, #tpu.memory_space<semaphore_mem>>) src(%arg7 : memref<5120xf32, #tpu.memory_space<vmem>>) dst(%dma_wait3A_16 : memref<10240xf32, #tpu.memory_space<vmem_shared>>)
      tpu.yield
    }) : () -> ()
    %barrier3A_7 = arith.constant 0 : index
    tpu.barrier barrier_id(%barrier3A_7)
    %mul3A_8 = arith.constant 640 : i32
    %mul3A_9 = arith.muli %arg1, %mul3A_8 : i32
    %mul3A_10 = arith.constant 10240 : i32
    %mul3A_11 = arith.muli %arg0, %mul3A_10 : i32
    %mul3A_12 = arith.constant 640 : i32
    %mul3A_13 = arith.muli %arg1, %mul3A_12 : i32
    %add3A_14 = arith.addi %mul3A_11, %mul3A_13 : i32
    "tpu.region"() ({
      %run_scoped3A = tpu.sem_alloc : memref<!tpu.dma_semaphore, #tpu.memory_space<semaphore_mem>>
      %dma_start3A = tpu.memref_slice %arg5[%add3A_14] : memref<20480xf32, #tpu.memory_space<hbm>> -> memref<640xf32, #tpu.memory_space<hbm>>
      %dma_start3A_15 = tpu.memref_slice %arg8[%mul3A_9] : memref<10240xf32, #tpu.memory_space<vmem_shared>> -> memref<640xf32, #tpu.memory_space<vmem_shared>>
      tpu.enqueue_dma source(%dma_start3A_15 : memref<640xf32, #tpu.memory_space<vmem_shared>>) target(%dma_start3A : memref<640xf32, #tpu.memory_space<hbm>>) target_semaphore(%run_scoped3A : memref<!tpu.dma_semaphore, #tpu.memory_space<semaphore_mem>>)
      %dma_wait3A = tpu.memref_slice %arg5[%add3A_14] : memref<20480xf32, #tpu.memory_space<hbm>> -> memref<640xf32, #tpu.memory_space<hbm>>
      %dma_wait3A_16 = tpu.memref_slice %arg8[%mul3A_9] : memref<10240xf32, #tpu.memory_space<vmem_shared>> -> memref<640xf32, #tpu.memory_space<vmem_shared>>
      tpu.wait_dma2 semaphore(%run_scoped3A : memref<!tpu.dma_semaphore, #tpu.memory_space<semaphore_mem>>) src(%dma_wait3A_16 : memref<640xf32, #tpu.memory_space<vmem_shared>>) dst(%dma_wait3A : memref<640xf32, #tpu.memory_space<hbm>>)
      tpu.yield
    }) : () -> ()
    return
  }
}

#map = affine_map<(d0, d1) -> (0, 0)>
#map1 = affine_map<(d0, d1) -> (0)>
module attributes {stable_mosaic.version = 14 : i64} {
  func.func @_conv_kernel(%arg0: i32, %arg1: i32, %arg2: memref<20480x160xbf16, #tpu.memory_space<hbm>>, %arg3: memref<327680xi32, #tpu.memory_space<hbm>>, %arg4: memref<163840xi32, #tpu.memory_space<hbm>>, %arg5: memref<20480x160xbf16, #tpu.memory_space<hbm>>, %arg6: memref<2560xi32, #tpu.memory_space<vmem>>, %arg7: memref<256xi32, #tpu.memory_space<vmem>>, %arg8: memref<256xi32, #tpu.memory_space<vmem>>, %arg9: memref<256x160xbf16, #tpu.memory_space<vmem>>, %arg10: memref<256x160xbf16, #tpu.memory_space<vmem>>, %arg11: memref<10240x160xbf16, #tpu.memory_space<vmem_shared>>, %arg12: memref<!tpu.dma_semaphore, #tpu.memory_space<semaphore_mem>>, %arg13: memref<!tpu.dma_semaphore, #tpu.memory_space<semaphore_mem>>, %arg14: memref<!tpu.dma_semaphore, #tpu.memory_space<semaphore_mem>>, %arg15: memref<!tpu.dma_semaphore, #tpu.memory_space<semaphore_mem>>) attributes {dimension_semantics = [#tpu.dimension_semantics<core_parallel>, #tpu.dimension_semantics<subcore_parallel>], iteration_bounds = array<i64: 2, 16>, scalar_prefetch = 0 : i64, scratch_operands = 10 : i64, tpu.core_type = #tpu.core_type<sc_vector_subcore>, window_params = [{transform_indices = #map}, {transform_indices = #map1}, {transform_indices = #map1}, {transform_indices = #map}]} {
    %mul3A = arith.constant 10240 : i32
    %mul3A_0 = arith.muli %arg1, %mul3A : i32
    %mul3A_1 = arith.constant 10240 : i32
    %mul3A_2 = arith.muli %arg0, %mul3A_1 : i32
    %mul3A_3 = arith.constant 640 : i32
    %mul3A_4 = arith.muli %arg1, %mul3A_3 : i32
    %add3A = arith.addi %mul3A_2, %mul3A_4 : i32
    %mul3A_5 = arith.constant 640 : i32
    %mul3A_6 = arith.muli %arg1, %mul3A_5 : i32
    "tpu.region"() ({
      %run_scoped3A = tpu.sem_alloc : memref<!tpu.dma_semaphore, #tpu.memory_space<semaphore_mem>>
      %dma_start3A_32 = arith.constant 0 : i32
      %dma_start3A_33 = tpu.memref_slice %arg11[%mul3A_6, %dma_start3A_32] : memref<10240x160xbf16, #tpu.memory_space<vmem_shared>> -> memref<640x160xbf16, #tpu.memory_space<vmem_shared>>
      %dma_start3A_34 = arith.constant 0 : i32
      %dma_start3A_35 = tpu.memref_slice %arg2[%add3A, %dma_start3A_34] : memref<20480x160xbf16, #tpu.memory_space<hbm>> -> memref<640x160xbf16, #tpu.memory_space<hbm>>
      tpu.enqueue_dma source(%dma_start3A_35 : memref<640x160xbf16, #tpu.memory_space<hbm>>) target(%dma_start3A_33 : memref<640x160xbf16, #tpu.memory_space<vmem_shared>>) target_semaphore(%run_scoped3A : memref<!tpu.dma_semaphore, #tpu.memory_space<semaphore_mem>>)
      %dma_wait3A_36 = arith.constant 0 : i32
      %dma_wait3A_37 = tpu.memref_slice %arg11[%mul3A_6, %dma_wait3A_36] : memref<10240x160xbf16, #tpu.memory_space<vmem_shared>> -> memref<640x160xbf16, #tpu.memory_space<vmem_shared>>
      %dma_wait3A_38 = arith.constant 0 : i32
      %dma_wait3A_39 = tpu.memref_slice %arg2[%add3A, %dma_wait3A_38] : memref<20480x160xbf16, #tpu.memory_space<hbm>> -> memref<640x160xbf16, #tpu.memory_space<hbm>>
      tpu.wait_dma2 semaphore(%run_scoped3A : memref<!tpu.dma_semaphore, #tpu.memory_space<semaphore_mem>>) src(%dma_wait3A_39 : memref<640x160xbf16, #tpu.memory_space<hbm>>) dst(%dma_wait3A_37 : memref<640x160xbf16, #tpu.memory_space<vmem_shared>>)
      tpu.yield
    }) : () -> ()
    %barrier3A = arith.constant 0 : index
    tpu.barrier barrier_id(%barrier3A)
    %mul3A_7 = arith.constant 163840 : i32
    %mul3A_8 = arith.muli %arg0, %mul3A_7 : i32
    %add3A_9 = arith.addi %mul3A_8, %mul3A_0 : i32
    "tpu.region"() ({
      %run_scoped3A = tpu.sem_alloc : memref<!tpu.dma_semaphore, #tpu.memory_space<semaphore_mem>>
      %dma_start3A_32 = tpu.memref_slice %arg3[%add3A_9] : memref<327680xi32, #tpu.memory_space<hbm>> -> memref<2560xi32, #tpu.memory_space<hbm>>
      %dma_start3A_33 = tpu.memref_slice %arg3[%add3A_9] : memref<327680xi32, #tpu.memory_space<hbm>> -> memref<2560xi32, #tpu.memory_space<hbm>>
      tpu.enqueue_dma source(%dma_start3A_33 : memref<2560xi32, #tpu.memory_space<hbm>>) target(%arg6 : memref<2560xi32, #tpu.memory_space<vmem>>) target_semaphore(%run_scoped3A : memref<!tpu.dma_semaphore, #tpu.memory_space<semaphore_mem>>)
      %dma_wait3A_34 = tpu.memref_slice %arg3[%add3A_9] : memref<327680xi32, #tpu.memory_space<hbm>> -> memref<2560xi32, #tpu.memory_space<hbm>>
      %dma_wait3A_35 = tpu.memref_slice %arg3[%add3A_9] : memref<327680xi32, #tpu.memory_space<hbm>> -> memref<2560xi32, #tpu.memory_space<hbm>>
      tpu.wait_dma2 semaphore(%run_scoped3A : memref<!tpu.dma_semaphore, #tpu.memory_space<semaphore_mem>>) src(%dma_wait3A_35 : memref<2560xi32, #tpu.memory_space<hbm>>) dst(%arg6 : memref<2560xi32, #tpu.memory_space<vmem>>)
      tpu.yield
    }) : () -> ()
    %dma_start3A = arith.constant 0 : i32
    %dma_start3A_10 = tpu.memref_slice %arg6[%dma_start3A] : memref<2560xi32, #tpu.memory_space<vmem>> -> memref<256xi32, #tpu.memory_space<vmem>>
    %dma_start3A_11 = arith.constant 0 : i32
    %dma_start3A_12 = arith.constant 0 : i32
    %dma_start3A_13 = tpu.memref_slice %arg2[%dma_start3A_11, %dma_start3A_12] : memref<20480x160xbf16, #tpu.memory_space<hbm>> -> memref<20480x160xbf16, #tpu.memory_space<hbm>>
    tpu.enqueue_indirect_dma source(%dma_start3A_13 : memref<20480x160xbf16, #tpu.memory_space<hbm>>) target(%arg9 : memref<256x160xbf16, #tpu.memory_space<vmem>>) offsets(%dma_start3A_10 : memref<256xi32, #tpu.memory_space<vmem>>) semaphore(%arg12 : memref<!tpu.dma_semaphore, #tpu.memory_space<semaphore_mem>>)
    %scan3A = arith.constant 0 : i32
    %scan3A_14 = arith.constant 0 : i32
    %scan3A_15 = arith.constant 20 : i32
    %scan3A_16 = arith.addi %scan3A_14, %scan3A_15 : i32
    %scan3A_17 = arith.constant 1 : i32
    scf.for %scan3A_32 = %scan3A_14 to %scan3A_16 step %scan3A_17  : i32 {
      %mul3A_33 = arith.constant 2 : i32
      %mul3A_34 = arith.muli %scan3A_32, %mul3A_33 : i32
      %add3A_35 = arith.constant 0 : i32
      %add3A_36 = arith.addi %mul3A_34, %add3A_35 : i32
      %add3A_37 = arith.constant 1 : i32
      %add3A_38 = arith.addi %add3A_36, %add3A_37 : i32
      %mul3A_39 = arith.constant 256 : i32
      %mul3A_40 = arith.muli %add3A_36, %mul3A_39 : i32
      %add3A_41 = arith.addi %mul3A_0, %mul3A_40 : i32
      "tpu.region"() ({
        %run_scoped3A = tpu.sem_alloc : memref<!tpu.dma_semaphore, #tpu.memory_space<semaphore_mem>>
        %dma_start3A_102 = tpu.memref_slice %arg4[%add3A_41] : memref<163840xi32, #tpu.memory_space<hbm>> -> memref<256xi32, #tpu.memory_space<hbm>>
        %dma_start3A_103 = tpu.memref_slice %arg4[%add3A_41] : memref<163840xi32, #tpu.memory_space<hbm>> -> memref<256xi32, #tpu.memory_space<hbm>>
        tpu.enqueue_dma source(%dma_start3A_103 : memref<256xi32, #tpu.memory_space<hbm>>) target(%arg7 : memref<256xi32, #tpu.memory_space<vmem>>) target_semaphore(%run_scoped3A : memref<!tpu.dma_semaphore, #tpu.memory_space<semaphore_mem>>)
        %dma_wait3A_104 = tpu.memref_slice %arg4[%add3A_41] : memref<163840xi32, #tpu.memory_space<hbm>> -> memref<256xi32, #tpu.memory_space<hbm>>
        %dma_wait3A_105 = tpu.memref_slice %arg4[%add3A_41] : memref<163840xi32, #tpu.memory_space<hbm>> -> memref<256xi32, #tpu.memory_space<hbm>>
        tpu.wait_dma2 semaphore(%run_scoped3A : memref<!tpu.dma_semaphore, #tpu.memory_space<semaphore_mem>>) src(%dma_wait3A_105 : memref<256xi32, #tpu.memory_space<hbm>>) dst(%arg7 : memref<256xi32, #tpu.memory_space<vmem>>)
        tpu.yield
      }) : () -> ()
      %jit3A = arith.constant 10 : i32
      %eq3A = arith.constant 0 : i32
      %eq3A_42 = arith.cmpi eq, %jit3A, %eq3A : i32
      %jit3A_43 = arith.constant 1 : i32
      %select_n3A = arith.select %eq3A_42, %jit3A_43, %jit3A : i32
      %rem3A = arith.remsi %add3A_36, %select_n3A : i32
      %ne3A = arith.constant 0 : i32
      %ne3A_44 = arith.cmpi ne, %rem3A, %ne3A : i32
      %lt3A = arith.constant 0 : i32
      %lt3A_45 = arith.cmpi slt, %rem3A, %lt3A : i32
      %lt3A_46 = arith.constant 0 : i32
      %lt3A_47 = arith.cmpi slt, %select_n3A, %lt3A_46 : i32
      %ne3A_48 = arith.xori %lt3A_45, %lt3A_47 : i1
      %and3A = arith.andi %ne3A_48, %ne3A_44 : i1
      %add3A_49 = arith.addi %rem3A, %select_n3A : i32
      %select_n3A_50 = arith.select %and3A, %add3A_49, %rem3A : i32
      %mul3A_51 = arith.constant 256 : i32
      %mul3A_52 = arith.muli %select_n3A_50, %mul3A_51 : i32
      %dma_wait3A_53 = tpu.memref_slice %arg6[%mul3A_52] : memref<2560xi32, #tpu.memory_space<vmem>> -> memref<256xi32, #tpu.memory_space<vmem>>
      %dma_wait3A_54 = arith.constant 0 : i32
      %dma_wait3A_55 = arith.constant 0 : i32
      %dma_wait3A_56 = tpu.memref_slice %arg2[%dma_wait3A_54, %dma_wait3A_55] : memref<20480x160xbf16, #tpu.memory_space<hbm>> -> memref<20480x160xbf16, #tpu.memory_space<hbm>>
      tpu.wait_indirect_dma semaphore(%arg12 : memref<!tpu.dma_semaphore, #tpu.memory_space<semaphore_mem>>) src(%dma_wait3A_56 : memref<20480x160xbf16, #tpu.memory_space<hbm>>) dst(%arg9 : memref<256x160xbf16, #tpu.memory_space<vmem>>)
      %lt3A_57 = arith.constant 40 : i32
      %lt3A_58 = arith.cmpi slt, %add3A_38, %lt3A_57 : i32
      %convert_element_type3A = arith.extui %lt3A_58 : i1 to i32
      %cond3A = arith.constant 0 : i32
      %cond3A_59 = arith.cmpi ne, %convert_element_type3A, %cond3A : i32
      scf.if %cond3A_59 {
        %jit3A_102 = arith.constant 10 : i32
        %eq3A_103 = arith.constant 0 : i32
        %eq3A_104 = arith.cmpi eq, %jit3A_102, %eq3A_103 : i32
        %jit3A_105 = arith.constant 1 : i32
        %select_n3A_106 = arith.select %eq3A_104, %jit3A_105, %jit3A_102 : i32
        %rem3A_107 = arith.remsi %add3A_38, %select_n3A_106 : i32
        %ne3A_108 = arith.constant 0 : i32
        %ne3A_109 = arith.cmpi ne, %rem3A_107, %ne3A_108 : i32
        %lt3A_110 = arith.constant 0 : i32
        %lt3A_111 = arith.cmpi slt, %rem3A_107, %lt3A_110 : i32
        %lt3A_112 = arith.constant 0 : i32
        %lt3A_113 = arith.cmpi slt, %select_n3A_106, %lt3A_112 : i32
        %ne3A_114 = arith.xori %lt3A_111, %lt3A_113 : i1
        %and3A_115 = arith.andi %ne3A_114, %ne3A_109 : i1
        %add3A_116 = arith.addi %rem3A_107, %select_n3A_106 : i32
        %select_n3A_117 = arith.select %and3A_115, %add3A_116, %rem3A_107 : i32
        %eq3A_118 = arith.constant 0 : i32
        %eq3A_119 = arith.cmpi eq, %select_n3A_117, %eq3A_118 : i32
        %convert_element_type3A_120 = arith.extui %eq3A_119 : i1 to i32
        %cond3A_121 = arith.constant 0 : i32
        %cond3A_122 = arith.cmpi ne, %convert_element_type3A_120, %cond3A_121 : i32
        scf.if %cond3A_122 {
          %mul3A_149 = arith.constant 163840 : i32
          %mul3A_150 = arith.muli %arg0, %mul3A_149 : i32
          %add3A_151 = arith.addi %mul3A_150, %mul3A_0 : i32
          %mul3A_152 = arith.constant 256 : i32
          %mul3A_153 = arith.muli %add3A_38, %mul3A_152 : i32
          %add3A_154 = arith.addi %add3A_151, %mul3A_153 : i32
          "tpu.region"() ({
            %run_scoped3A = tpu.sem_alloc : memref<!tpu.dma_semaphore, #tpu.memory_space<semaphore_mem>>
            %dma_start3A_155 = tpu.memref_slice %arg3[%add3A_154] : memref<327680xi32, #tpu.memory_space<hbm>> -> memref<2560xi32, #tpu.memory_space<hbm>>
            %dma_start3A_156 = tpu.memref_slice %arg3[%add3A_154] : memref<327680xi32, #tpu.memory_space<hbm>> -> memref<2560xi32, #tpu.memory_space<hbm>>
            tpu.enqueue_dma source(%dma_start3A_156 : memref<2560xi32, #tpu.memory_space<hbm>>) target(%arg6 : memref<2560xi32, #tpu.memory_space<vmem>>) target_semaphore(%run_scoped3A : memref<!tpu.dma_semaphore, #tpu.memory_space<semaphore_mem>>)
            %dma_wait3A_157 = tpu.memref_slice %arg3[%add3A_154] : memref<327680xi32, #tpu.memory_space<hbm>> -> memref<2560xi32, #tpu.memory_space<hbm>>
            %dma_wait3A_158 = tpu.memref_slice %arg3[%add3A_154] : memref<327680xi32, #tpu.memory_space<hbm>> -> memref<2560xi32, #tpu.memory_space<hbm>>
            tpu.wait_dma2 semaphore(%run_scoped3A : memref<!tpu.dma_semaphore, #tpu.memory_space<semaphore_mem>>) src(%dma_wait3A_158 : memref<2560xi32, #tpu.memory_space<hbm>>) dst(%arg6 : memref<2560xi32, #tpu.memory_space<vmem>>)
            tpu.yield
          }) : () -> ()
        } else {
        }
        %ge3A = arith.constant 1 : i32
        %ge3A_123 = arith.cmpi sge, %add3A_36, %ge3A : i32
        %convert_element_type3A_124 = arith.extui %ge3A_123 : i1 to i32
        %cond3A_125 = arith.constant 0 : i32
        %cond3A_126 = arith.cmpi ne, %convert_element_type3A_124, %cond3A_125 : i32
        scf.if %cond3A_126 {
          %dma_wait3A_149 = arith.constant 0 : i32
          %dma_wait3A_150 = arith.constant 0 : i32
          %dma_wait3A_151 = tpu.memref_slice %arg11[%dma_wait3A_149, %dma_wait3A_150] : memref<10240x160xbf16, #tpu.memory_space<vmem_shared>> -> memref<10240x160xbf16, #tpu.memory_space<vmem_shared>>
          tpu.wait_indirect_dma semaphore(%arg15 : memref<!tpu.dma_semaphore, #tpu.memory_space<semaphore_mem>>) src(%arg10 : memref<256x160xbf16, #tpu.memory_space<vmem>>) dst(%dma_wait3A_151 : memref<10240x160xbf16, #tpu.memory_space<vmem_shared>>)
        } else {
        }
        %jit3A_127 = arith.constant 10 : i32
        %eq3A_128 = arith.constant 0 : i32
        %eq3A_129 = arith.cmpi eq, %jit3A_127, %eq3A_128 : i32
        %jit3A_130 = arith.constant 1 : i32
        %select_n3A_131 = arith.select %eq3A_129, %jit3A_130, %jit3A_127 : i32
        %rem3A_132 = arith.remsi %add3A_38, %select_n3A_131 : i32
        %ne3A_133 = arith.constant 0 : i32
        %ne3A_134 = arith.cmpi ne, %rem3A_132, %ne3A_133 : i32
        %lt3A_135 = arith.constant 0 : i32
        %lt3A_136 = arith.cmpi slt, %rem3A_132, %lt3A_135 : i32
        %lt3A_137 = arith.constant 0 : i32
        %lt3A_138 = arith.cmpi slt, %select_n3A_131, %lt3A_137 : i32
        %ne3A_139 = arith.xori %lt3A_136, %lt3A_138 : i1
        %and3A_140 = arith.andi %ne3A_139, %ne3A_134 : i1
        %add3A_141 = arith.addi %rem3A_132, %select_n3A_131 : i32
        %select_n3A_142 = arith.select %and3A_140, %add3A_141, %rem3A_132 : i32
        %mul3A_143 = arith.constant 256 : i32
        %mul3A_144 = arith.muli %select_n3A_142, %mul3A_143 : i32
        %dma_start3A_145 = tpu.memref_slice %arg6[%mul3A_144] : memref<2560xi32, #tpu.memory_space<vmem>> -> memref<256xi32, #tpu.memory_space<vmem>>
        %dma_start3A_146 = arith.constant 0 : i32
        %dma_start3A_147 = arith.constant 0 : i32
        %dma_start3A_148 = tpu.memref_slice %arg2[%dma_start3A_146, %dma_start3A_147] : memref<20480x160xbf16, #tpu.memory_space<hbm>> -> memref<20480x160xbf16, #tpu.memory_space<hbm>>
        tpu.enqueue_indirect_dma source(%dma_start3A_148 : memref<20480x160xbf16, #tpu.memory_space<hbm>>) target(%arg10 : memref<256x160xbf16, #tpu.memory_space<vmem>>) offsets(%dma_start3A_145 : memref<256xi32, #tpu.memory_space<vmem>>) semaphore(%arg13 : memref<!tpu.dma_semaphore, #tpu.memory_space<semaphore_mem>>)
      } else {
      }
      %dma_start3A_60 = arith.constant 0 : i32
      %dma_start3A_61 = arith.constant 0 : i32
      %dma_start3A_62 = tpu.memref_slice %arg11[%dma_start3A_60, %dma_start3A_61] : memref<10240x160xbf16, #tpu.memory_space<vmem_shared>> -> memref<10240x160xbf16, #tpu.memory_space<vmem_shared>>
      tpu.enqueue_indirect_dma source(%arg9 : memref<256x160xbf16, #tpu.memory_space<vmem>>) target(%dma_start3A_62 : memref<10240x160xbf16, #tpu.memory_space<vmem_shared>>) offsets(%arg7 : memref<256xi32, #tpu.memory_space<vmem>>) semaphore(%arg14 : memref<!tpu.dma_semaphore, #tpu.memory_space<semaphore_mem>>) {add = true}
      %mul3A_63 = arith.constant 2 : i32
      %mul3A_64 = arith.muli %scan3A_32, %mul3A_63 : i32
      %add3A_65 = arith.constant 1 : i32
      %add3A_66 = arith.addi %mul3A_64, %add3A_65 : i32
      %add3A_67 = arith.constant 1 : i32
      %add3A_68 = arith.addi %add3A_66, %add3A_67 : i32
      %mul3A_69 = arith.constant 256 : i32
      %mul3A_70 = arith.muli %add3A_66, %mul3A_69 : i32
      %add3A_71 = arith.addi %mul3A_0, %mul3A_70 : i32
      "tpu.region"() ({
        %run_scoped3A = tpu.sem_alloc : memref<!tpu.dma_semaphore, #tpu.memory_space<semaphore_mem>>
        %dma_start3A_102 = tpu.memref_slice %arg4[%add3A_71] : memref<163840xi32, #tpu.memory_space<hbm>> -> memref<256xi32, #tpu.memory_space<hbm>>
        %dma_start3A_103 = tpu.memref_slice %arg4[%add3A_71] : memref<163840xi32, #tpu.memory_space<hbm>> -> memref<256xi32, #tpu.memory_space<hbm>>
        tpu.enqueue_dma source(%dma_start3A_103 : memref<256xi32, #tpu.memory_space<hbm>>) target(%arg8 : memref<256xi32, #tpu.memory_space<vmem>>) target_semaphore(%run_scoped3A : memref<!tpu.dma_semaphore, #tpu.memory_space<semaphore_mem>>)
        %dma_wait3A_104 = tpu.memref_slice %arg4[%add3A_71] : memref<163840xi32, #tpu.memory_space<hbm>> -> memref<256xi32, #tpu.memory_space<hbm>>
        %dma_wait3A_105 = tpu.memref_slice %arg4[%add3A_71] : memref<163840xi32, #tpu.memory_space<hbm>> -> memref<256xi32, #tpu.memory_space<hbm>>
        tpu.wait_dma2 semaphore(%run_scoped3A : memref<!tpu.dma_semaphore, #tpu.memory_space<semaphore_mem>>) src(%dma_wait3A_105 : memref<256xi32, #tpu.memory_space<hbm>>) dst(%arg8 : memref<256xi32, #tpu.memory_space<vmem>>)
        tpu.yield
      }) : () -> ()
      %jit3A_72 = arith.constant 10 : i32
      %eq3A_73 = arith.constant 0 : i32
      %eq3A_74 = arith.cmpi eq, %jit3A_72, %eq3A_73 : i32
      %jit3A_75 = arith.constant 1 : i32
      %select_n3A_76 = arith.select %eq3A_74, %jit3A_75, %jit3A_72 : i32
      %rem3A_77 = arith.remsi %add3A_66, %select_n3A_76 : i32
      %ne3A_78 = arith.constant 0 : i32
      %ne3A_79 = arith.cmpi ne, %rem3A_77, %ne3A_78 : i32
      %lt3A_80 = arith.constant 0 : i32
      %lt3A_81 = arith.cmpi slt, %rem3A_77, %lt3A_80 : i32
      %lt3A_82 = arith.constant 0 : i32
      %lt3A_83 = arith.cmpi slt, %select_n3A_76, %lt3A_82 : i32
      %ne3A_84 = arith.xori %lt3A_81, %lt3A_83 : i1
      %and3A_85 = arith.andi %ne3A_84, %ne3A_79 : i1
      %add3A_86 = arith.addi %rem3A_77, %select_n3A_76 : i32
      %select_n3A_87 = arith.select %and3A_85, %add3A_86, %rem3A_77 : i32
      %mul3A_88 = arith.constant 256 : i32
      %mul3A_89 = arith.muli %select_n3A_87, %mul3A_88 : i32
      %dma_wait3A_90 = tpu.memref_slice %arg6[%mul3A_89] : memref<2560xi32, #tpu.memory_space<vmem>> -> memref<256xi32, #tpu.memory_space<vmem>>
      %dma_wait3A_91 = arith.constant 0 : i32
      %dma_wait3A_92 = arith.constant 0 : i32
      %dma_wait3A_93 = tpu.memref_slice %arg2[%dma_wait3A_91, %dma_wait3A_92] : memref<20480x160xbf16, #tpu.memory_space<hbm>> -> memref<20480x160xbf16, #tpu.memory_space<hbm>>
      tpu.wait_indirect_dma semaphore(%arg13 : memref<!tpu.dma_semaphore, #tpu.memory_space<semaphore_mem>>) src(%dma_wait3A_93 : memref<20480x160xbf16, #tpu.memory_space<hbm>>) dst(%arg10 : memref<256x160xbf16, #tpu.memory_space<vmem>>)
      %lt3A_94 = arith.constant 40 : i32
      %lt3A_95 = arith.cmpi slt, %add3A_68, %lt3A_94 : i32
      %convert_element_type3A_96 = arith.extui %lt3A_95 : i1 to i32
      %cond3A_97 = arith.constant 0 : i32
      %cond3A_98 = arith.cmpi ne, %convert_element_type3A_96, %cond3A_97 : i32
      scf.if %cond3A_98 {
        %jit3A_102 = arith.constant 10 : i32
        %eq3A_103 = arith.constant 0 : i32
        %eq3A_104 = arith.cmpi eq, %jit3A_102, %eq3A_103 : i32
        %jit3A_105 = arith.constant 1 : i32
        %select_n3A_106 = arith.select %eq3A_104, %jit3A_105, %jit3A_102 : i32
        %rem3A_107 = arith.remsi %add3A_68, %select_n3A_106 : i32
        %ne3A_108 = arith.constant 0 : i32
        %ne3A_109 = arith.cmpi ne, %rem3A_107, %ne3A_108 : i32
        %lt3A_110 = arith.constant 0 : i32
        %lt3A_111 = arith.cmpi slt, %rem3A_107, %lt3A_110 : i32
        %lt3A_112 = arith.constant 0 : i32
        %lt3A_113 = arith.cmpi slt, %select_n3A_106, %lt3A_112 : i32
        %ne3A_114 = arith.xori %lt3A_111, %lt3A_113 : i1
        %and3A_115 = arith.andi %ne3A_114, %ne3A_109 : i1
        %add3A_116 = arith.addi %rem3A_107, %select_n3A_106 : i32
        %select_n3A_117 = arith.select %and3A_115, %add3A_116, %rem3A_107 : i32
        %eq3A_118 = arith.constant 0 : i32
        %eq3A_119 = arith.cmpi eq, %select_n3A_117, %eq3A_118 : i32
        %convert_element_type3A_120 = arith.extui %eq3A_119 : i1 to i32
        %cond3A_121 = arith.constant 0 : i32
        %cond3A_122 = arith.cmpi ne, %convert_element_type3A_120, %cond3A_121 : i32
        scf.if %cond3A_122 {
          %mul3A_149 = arith.constant 163840 : i32
          %mul3A_150 = arith.muli %arg0, %mul3A_149 : i32
          %add3A_151 = arith.addi %mul3A_150, %mul3A_0 : i32
          %mul3A_152 = arith.constant 256 : i32
          %mul3A_153 = arith.muli %add3A_68, %mul3A_152 : i32
          %add3A_154 = arith.addi %add3A_151, %mul3A_153 : i32
          "tpu.region"() ({
            %run_scoped3A = tpu.sem_alloc : memref<!tpu.dma_semaphore, #tpu.memory_space<semaphore_mem>>
            %dma_start3A_155 = tpu.memref_slice %arg3[%add3A_154] : memref<327680xi32, #tpu.memory_space<hbm>> -> memref<2560xi32, #tpu.memory_space<hbm>>
            %dma_start3A_156 = tpu.memref_slice %arg3[%add3A_154] : memref<327680xi32, #tpu.memory_space<hbm>> -> memref<2560xi32, #tpu.memory_space<hbm>>
            tpu.enqueue_dma source(%dma_start3A_156 : memref<2560xi32, #tpu.memory_space<hbm>>) target(%arg6 : memref<2560xi32, #tpu.memory_space<vmem>>) target_semaphore(%run_scoped3A : memref<!tpu.dma_semaphore, #tpu.memory_space<semaphore_mem>>)
            %dma_wait3A_157 = tpu.memref_slice %arg3[%add3A_154] : memref<327680xi32, #tpu.memory_space<hbm>> -> memref<2560xi32, #tpu.memory_space<hbm>>
            %dma_wait3A_158 = tpu.memref_slice %arg3[%add3A_154] : memref<327680xi32, #tpu.memory_space<hbm>> -> memref<2560xi32, #tpu.memory_space<hbm>>
            tpu.wait_dma2 semaphore(%run_scoped3A : memref<!tpu.dma_semaphore, #tpu.memory_space<semaphore_mem>>) src(%dma_wait3A_158 : memref<2560xi32, #tpu.memory_space<hbm>>) dst(%arg6 : memref<2560xi32, #tpu.memory_space<vmem>>)
            tpu.yield
          }) : () -> ()
        } else {
        }
        %ge3A = arith.constant 1 : i32
        %ge3A_123 = arith.cmpi sge, %add3A_66, %ge3A : i32
        %convert_element_type3A_124 = arith.extui %ge3A_123 : i1 to i32
        %cond3A_125 = arith.constant 0 : i32
        %cond3A_126 = arith.cmpi ne, %convert_element_type3A_124, %cond3A_125 : i32
        scf.if %cond3A_126 {
          %dma_wait3A_149 = arith.constant 0 : i32
          %dma_wait3A_150 = arith.constant 0 : i32
          %dma_wait3A_151 = tpu.memref_slice %arg11[%dma_wait3A_149, %dma_wait3A_150] : memref<10240x160xbf16, #tpu.memory_space<vmem_shared>> -> memref<10240x160xbf16, #tpu.memory_space<vmem_shared>>
          tpu.wait_indirect_dma semaphore(%arg14 : memref<!tpu.dma_semaphore, #tpu.memory_space<semaphore_mem>>) src(%arg9 : memref<256x160xbf16, #tpu.memory_space<vmem>>) dst(%dma_wait3A_151 : memref<10240x160xbf16, #tpu.memory_space<vmem_shared>>)
        } else {
        }
        %jit3A_127 = arith.constant 10 : i32
        %eq3A_128 = arith.constant 0 : i32
        %eq3A_129 = arith.cmpi eq, %jit3A_127, %eq3A_128 : i32
        %jit3A_130 = arith.constant 1 : i32
        %select_n3A_131 = arith.select %eq3A_129, %jit3A_130, %jit3A_127 : i32
        %rem3A_132 = arith.remsi %add3A_68, %select_n3A_131 : i32
        %ne3A_133 = arith.constant 0 : i32
        %ne3A_134 = arith.cmpi ne, %rem3A_132, %ne3A_133 : i32
        %lt3A_135 = arith.constant 0 : i32
        %lt3A_136 = arith.cmpi slt, %rem3A_132, %lt3A_135 : i32
        %lt3A_137 = arith.constant 0 : i32
        %lt3A_138 = arith.cmpi slt, %select_n3A_131, %lt3A_137 : i32
        %ne3A_139 = arith.xori %lt3A_136, %lt3A_138 : i1
        %and3A_140 = arith.andi %ne3A_139, %ne3A_134 : i1
        %add3A_141 = arith.addi %rem3A_132, %select_n3A_131 : i32
        %select_n3A_142 = arith.select %and3A_140, %add3A_141, %rem3A_132 : i32
        %mul3A_143 = arith.constant 256 : i32
        %mul3A_144 = arith.muli %select_n3A_142, %mul3A_143 : i32
        %dma_start3A_145 = tpu.memref_slice %arg6[%mul3A_144] : memref<2560xi32, #tpu.memory_space<vmem>> -> memref<256xi32, #tpu.memory_space<vmem>>
        %dma_start3A_146 = arith.constant 0 : i32
        %dma_start3A_147 = arith.constant 0 : i32
        %dma_start3A_148 = tpu.memref_slice %arg2[%dma_start3A_146, %dma_start3A_147] : memref<20480x160xbf16, #tpu.memory_space<hbm>> -> memref<20480x160xbf16, #tpu.memory_space<hbm>>
        tpu.enqueue_indirect_dma source(%dma_start3A_148 : memref<20480x160xbf16, #tpu.memory_space<hbm>>) target(%arg9 : memref<256x160xbf16, #tpu.memory_space<vmem>>) offsets(%dma_start3A_145 : memref<256xi32, #tpu.memory_space<vmem>>) semaphore(%arg12 : memref<!tpu.dma_semaphore, #tpu.memory_space<semaphore_mem>>)
      } else {
      }
      %dma_start3A_99 = arith.constant 0 : i32
      %dma_start3A_100 = arith.constant 0 : i32
      %dma_start3A_101 = tpu.memref_slice %arg11[%dma_start3A_99, %dma_start3A_100] : memref<10240x160xbf16, #tpu.memory_space<vmem_shared>> -> memref<10240x160xbf16, #tpu.memory_space<vmem_shared>>
      tpu.enqueue_indirect_dma source(%arg10 : memref<256x160xbf16, #tpu.memory_space<vmem>>) target(%dma_start3A_101 : memref<10240x160xbf16, #tpu.memory_space<vmem_shared>>) offsets(%arg8 : memref<256xi32, #tpu.memory_space<vmem>>) semaphore(%arg15 : memref<!tpu.dma_semaphore, #tpu.memory_space<semaphore_mem>>) {add = true}
    }
    %scan3A_18 = arith.constant 20 : i32
    %dma_wait3A = arith.constant 0 : i32
    %dma_wait3A_19 = arith.constant 0 : i32
    %dma_wait3A_20 = tpu.memref_slice %arg11[%dma_wait3A, %dma_wait3A_19] : memref<10240x160xbf16, #tpu.memory_space<vmem_shared>> -> memref<10240x160xbf16, #tpu.memory_space<vmem_shared>>
    tpu.wait_indirect_dma semaphore(%arg14 : memref<!tpu.dma_semaphore, #tpu.memory_space<semaphore_mem>>) src(%arg9 : memref<256x160xbf16, #tpu.memory_space<vmem>>) dst(%dma_wait3A_20 : memref<10240x160xbf16, #tpu.memory_space<vmem_shared>>)
    %dma_wait3A_21 = arith.constant 0 : i32
    %dma_wait3A_22 = arith.constant 0 : i32
    %dma_wait3A_23 = tpu.memref_slice %arg11[%dma_wait3A_21, %dma_wait3A_22] : memref<10240x160xbf16, #tpu.memory_space<vmem_shared>> -> memref<10240x160xbf16, #tpu.memory_space<vmem_shared>>
    tpu.wait_indirect_dma semaphore(%arg15 : memref<!tpu.dma_semaphore, #tpu.memory_space<semaphore_mem>>) src(%arg10 : memref<256x160xbf16, #tpu.memory_space<vmem>>) dst(%dma_wait3A_23 : memref<10240x160xbf16, #tpu.memory_space<vmem_shared>>)
    %barrier3A_24 = arith.constant 0 : index
    tpu.barrier barrier_id(%barrier3A_24)
    %mul3A_25 = arith.constant 640 : i32
    %mul3A_26 = arith.muli %arg1, %mul3A_25 : i32
    %mul3A_27 = arith.constant 10240 : i32
    %mul3A_28 = arith.muli %arg0, %mul3A_27 : i32
    %mul3A_29 = arith.constant 640 : i32
    %mul3A_30 = arith.muli %arg1, %mul3A_29 : i32
    %add3A_31 = arith.addi %mul3A_28, %mul3A_30 : i32
    "tpu.region"() ({
      %run_scoped3A = tpu.sem_alloc : memref<!tpu.dma_semaphore, #tpu.memory_space<semaphore_mem>>
      %dma_start3A_32 = arith.constant 0 : i32
      %dma_start3A_33 = tpu.memref_slice %arg5[%add3A_31, %dma_start3A_32] : memref<20480x160xbf16, #tpu.memory_space<hbm>> -> memref<640x160xbf16, #tpu.memory_space<hbm>>
      %dma_start3A_34 = arith.constant 0 : i32
      %dma_start3A_35 = tpu.memref_slice %arg11[%mul3A_26, %dma_start3A_34] : memref<10240x160xbf16, #tpu.memory_space<vmem_shared>> -> memref<640x160xbf16, #tpu.memory_space<vmem_shared>>
      tpu.enqueue_dma source(%dma_start3A_35 : memref<640x160xbf16, #tpu.memory_space<vmem_shared>>) target(%dma_start3A_33 : memref<640x160xbf16, #tpu.memory_space<hbm>>) target_semaphore(%run_scoped3A : memref<!tpu.dma_semaphore, #tpu.memory_space<semaphore_mem>>)
      %dma_wait3A_36 = arith.constant 0 : i32
      %dma_wait3A_37 = tpu.memref_slice %arg5[%add3A_31, %dma_wait3A_36] : memref<20480x160xbf16, #tpu.memory_space<hbm>> -> memref<640x160xbf16, #tpu.memory_space<hbm>>
      %dma_wait3A_38 = arith.constant 0 : i32
      %dma_wait3A_39 = tpu.memref_slice %arg11[%mul3A_26, %dma_wait3A_38] : memref<10240x160xbf16, #tpu.memory_space<vmem_shared>> -> memref<640x160xbf16, #tpu.memory_space<vmem_shared>>
      tpu.wait_dma2 semaphore(%run_scoped3A : memref<!tpu.dma_semaphore, #tpu.memory_space<semaphore_mem>>) src(%dma_wait3A_39 : memref<640x160xbf16, #tpu.memory_space<vmem_shared>>) dst(%dma_wait3A_37 : memref<640x160xbf16, #tpu.memory_space<hbm>>)
      tpu.yield
    }) : () -> ()
    return
  }
}

module attributes {stable_mosaic.version = 14 : i64} {
  func.func @_scale_body(%arg0: i32, %arg1: memref<1024x268xf32, #tpu.memory_space<vmem>>, %arg2: memref<2x1024xf32, #tpu.memory_space<vmem>>, %arg3: memref<2x1024x160xbf16, #tpu.memory_space<vmem>>) attributes {dimension_semantics = [#tpu.dimension_semantics<arbitrary>], iteration_bounds = array<i64: 10>, scalar_prefetch = 0 : i64, scratch_operands = 0 : i64, tpu.core_type = #tpu.core_type<tc>, window_params = [{transform_indices = @transform_0, window_bounds = array<i64: 1024, 268>}, {transform_indices = @transform_1, window_bounds = array<i64: 2, 1024>}, {transform_indices = @transform_2, window_bounds = array<i64: 2, 1024, 160>}]} {
    %get3A = arith.constant 0 : index
    %get3A_0 = arith.constant 0 : index
    %get3A_1 = vector.load %arg2[%get3A, %get3A_0] : memref<2x1024xf32, #tpu.memory_space<vmem>>, vector<2x1024xf32>
    %slice3A = vector.extract_strided_slice %get3A_1 {offsets = [0, 0], sizes = [1, 1024], strides = [1, 1]} : vector<2x1024xf32> to vector<1x1024xf32>
    %slice3A_2 = vector.extract_strided_slice %get3A_1 {offsets = [1, 0], sizes = [1, 1024], strides = [1, 1]} : vector<2x1024xf32> to vector<1x1024xf32>
    %add3A = arith.addf %slice3A, %slice3A_2 : vector<1x1024xf32>
    %add3A_3 = arith.constant 1.000000e+00 : f32
    %add3A_4 = vector.broadcast %add3A_3 : f32 to vector<1x1024xf32>
    %add3A_5 = arith.addf %add3A, %add3A_4 : vector<1x1024xf32>
    %rsqrt3A = math.rsqrt %add3A_5 : vector<1x1024xf32>
    %transpose3A = tpu.transpose %rsqrt3A, [1, 0] : vector<1x1024xf32> -> vector<1024x1xf32>
    %broadcast_in_dim3A = arith.constant 0.000000e+00 : f32
    %broadcast_in_dim3A_6 = vector.broadcast %broadcast_in_dim3A : f32 to vector<1024x26xf32>
    %get3A_7 = arith.constant 0 : index
    %get3A_8 = arith.constant 0 : index
    %get3A_9 = vector.load %arg1[%get3A_7, %get3A_8] : memref<1024x268xf32, #tpu.memory_space<vmem>>, vector<1024x134xf32>
    %concatenate3A = tpu.concatenate %get3A_9, %broadcast_in_dim3A_6 in 1 : vector<1024x134xf32>, vector<1024x26xf32> -> vector<1024x160xf32>
    %get3A_10 = arith.constant 0 : index
    %get3A_11 = arith.constant 134 : index
    %get3A_12 = vector.load %arg1[%get3A_10, %get3A_11] : memref<1024x268xf32, #tpu.memory_space<vmem>>, vector<1024x134xf32>
    %concatenate3A_13 = tpu.concatenate %get3A_12, %broadcast_in_dim3A_6 in 1 : vector<1024x134xf32>, vector<1024x26xf32> -> vector<1024x160xf32>
    %stack3A = vector.shape_cast %concatenate3A : vector<1024x160xf32> to vector<1x1024x160xf32>
    %stack3A_14 = vector.shape_cast %concatenate3A_13 : vector<1024x160xf32> to vector<1x1024x160xf32>
    %stack3A_15 = tpu.concatenate %stack3A, %stack3A_14 in 0 : vector<1x1024x160xf32>, vector<1x1024x160xf32> -> vector<2x1024x160xf32>
    %broadcast_in_dim3A_16 = vector.shape_cast %transpose3A : vector<1024x1xf32> to vector<1x1024x1xf32>
    %mul3A = vector.broadcast %broadcast_in_dim3A_16 : vector<1x1024x1xf32> to vector<2x1024x160xf32>
    %mul3A_17 = arith.mulf %stack3A_15, %mul3A : vector<2x1024x160xf32>
    %convert_element_type3A = arith.truncf %mul3A_17 : vector<2x1024x160xf32> to vector<2x1024x160xbf16>
    %swap3A = arith.constant 0 : index
    %swap3A_18 = arith.constant 0 : index
    %swap3A_19 = arith.constant 0 : index
    %swap3A_20 = vector.load %arg3[%swap3A, %swap3A_18, %swap3A_19] : memref<2x1024x160xbf16, #tpu.memory_space<vmem>>, vector<2x1024x160xbf16>
    tpu.vector_store %arg3[%swap3A, %swap3A_18, %swap3A_19], %convert_element_type3A {strides = array<i32>} : memref<2x1024x160xbf16, #tpu.memory_space<vmem>>, vector<2x1024x160xbf16>,
    return
  }
  func.func @transform_0(%arg0: i32) -> (i32, i32) {
    %c0_i32 = arith.constant 0 : i32
    %c0_i32_0 = arith.constant 0 : i32
    return %arg0, %c0_i32 : i32, i32
  }
  func.func @transform_1(%arg0: i32) -> (i32, i32) {
    %c0_i32 = arith.constant 0 : i32
    %c0_i32_0 = arith.constant 0 : i32
    return %c0_i32, %arg0 : i32, i32
  }
  func.func @transform_2(%arg0: i32) -> (i32, i32, i32) {
    %c0_i32 = arith.constant 0 : i32
    %c0_i32_0 = arith.constant 0 : i32
    %c0_i32_1 = arith.constant 0 : i32
    return %c0_i32, %arg0, %c0_i32_0 : i32, i32, i32
  }
}

module attributes {stable_mosaic.version = 14 : i64} {
  func.func @_mm_body(%arg0: i32, %arg1: i32, %arg2: memref<1x512x160xbf16, #tpu.memory_space<vmem>>, %arg3: memref<1x512x160xbf16, #tpu.memory_space<vmem>>, %arg4: memref<2x512xf32, #tpu.memory_space<vmem>>, %arg5: memref<160x384xf32, #tpu.memory_space<vmem>>, %arg6: memref<160x384xf32, #tpu.memory_space<vmem>>, %arg7: memref<1x384xf32, #tpu.memory_space<vmem>>, %arg8: memref<1x384xf32, #tpu.memory_space<vmem>>, %arg9: memref<1x384xf32, #tpu.memory_space<vmem>>, %arg10: memref<1x384xf32, #tpu.memory_space<vmem>>, %arg11: memref<1x1x512xf32, #tpu.memory_space<vmem>>, %arg12: memref<10240x384xf32, #tpu.memory_space<vmem>>, %arg13: memref<2x384xf32, #tpu.memory_space<vmem>>) attributes {dimension_semantics = [#tpu.dimension_semantics<arbitrary>, #tpu.dimension_semantics<arbitrary>], iteration_bounds = array<i64: 2, 20>, scalar_prefetch = 0 : i64, scratch_operands = 2 : i64, tpu.core_type = #tpu.core_type<tc>, window_params = [{transform_indices = @transform_0, window_bounds = array<i64: 1, 512, 160>}, {transform_indices = @transform_1, window_bounds = array<i64: 1, 512, 160>}, {transform_indices = @transform_2, window_bounds = array<i64: 2, 512>}, {pipeline_mode = #tpu.pipeline_mode<synchronous>, transform_indices = @transform_3, window_bounds = array<i64: 160, 384>}, {pipeline_mode = #tpu.pipeline_mode<synchronous>, transform_indices = @transform_4, window_bounds = array<i64: 160, 384>}, {pipeline_mode = #tpu.pipeline_mode<synchronous>, transform_indices = @transform_5, window_bounds = array<i64: 1, 384>}, {pipeline_mode = #tpu.pipeline_mode<synchronous>, transform_indices = @transform_6, window_bounds = array<i64: 1, 384>}, {pipeline_mode = #tpu.pipeline_mode<synchronous>, transform_indices = @transform_7, window_bounds = array<i64: 1, 384>}, {pipeline_mode = #tpu.pipeline_mode<synchronous>, transform_indices = @transform_8, window_bounds = array<i64: 1, 384>}, {transform_indices = @transform_9, window_bounds = array<i64: 1, 1, 512>}]} {
    %get3A = arith.constant 0 : index
    %get3A_0 = arith.constant 0 : index
    %get3A_1 = vector.load %arg4[%get3A, %get3A_0] : memref<2x512xf32, #tpu.memory_space<vmem>>, vector<2x512xf32>
    %slice3A = vector.extract_strided_slice %get3A_1 {offsets = [0, 0], sizes = [1, 512], strides = [1, 1]} : vector<2x512xf32> to vector<1x512xf32>
    %slice3A_2 = vector.extract_strided_slice %get3A_1 {offsets = [1, 0], sizes = [1, 512], strides = [1, 1]} : vector<2x512xf32> to vector<1x512xf32>
    %add3A = arith.addf %slice3A, %slice3A_2 : vector<1x512xf32>
    %add3A_3 = arith.constant 1.000000e+00 : f32
    %add3A_4 = vector.broadcast %add3A_3 : f32 to vector<1x512xf32>
    %add3A_5 = arith.addf %add3A, %add3A_4 : vector<1x512xf32>
    %rsqrt3A = math.rsqrt %add3A_5 : vector<1x512xf32>
    %transpose3A = tpu.transpose %rsqrt3A, [1, 0] : vector<1x512xf32> -> vector<512x1xf32>
    %mul3A = arith.constant 512 : i32
    %mul3A_6 = arith.muli %arg1, %mul3A : i32
    %iota3A = tpu.iota {dimensions = array<i32: 0>} : vector<512x1xi32>
    %add3A_7 = vector.broadcast %mul3A_6 : i32 to vector<512x1xi32>
    %add3A_8 = arith.addi %add3A_7, %iota3A : vector<512x1xi32>
    %eq3A = arith.constant 0 : i32
    %eq3A_9 = arith.cmpi eq, %arg0, %eq3A : i32
    %convert_element_type3A = arith.extui %eq3A_9 : i1 to i32
    %cond3A = arith.constant 0 : i32
    %cond3A_10 = arith.cmpi ne, %convert_element_type3A, %cond3A : i32
    scf.if %cond3A_10 {
      %get3A_16 = arith.constant 0 : index
      %get3A_17 = arith.constant 0 : index
      %get3A_18 = arith.constant 0 : index
      %get3A_19 = vector.load %arg2[%get3A_16, %get3A_17, %get3A_18] : memref<1x512x160xbf16, #tpu.memory_space<vmem>>, vector<1x512x160xbf16>
      %get3A_20 = vector.shape_cast %get3A_19 : vector<1x512x160xbf16> to vector<512x160xbf16>
      %convert_element_type3A_21 = arith.extf %get3A_20 : vector<512x160xbf16> to vector<512x160xf32>
      %mul3A_22 = vector.broadcast %transpose3A : vector<512x1xf32> to vector<512x160xf32>
      %mul3A_23 = arith.mulf %convert_element_type3A_21, %mul3A_22 : vector<512x160xf32>
      %get3A_24 = arith.constant 0 : index
      %get3A_25 = arith.constant 0 : index
      %get3A_26 = arith.constant 0 : index
      %get3A_27 = vector.load %arg3[%get3A_24, %get3A_25, %get3A_26] : memref<1x512x160xbf16, #tpu.memory_space<vmem>>, vector<1x512x160xbf16>
      %get3A_28 = vector.shape_cast %get3A_27 : vector<1x512x160xbf16> to vector<512x160xbf16>
      %convert_element_type3A_29 = arith.extf %get3A_28 : vector<512x160xbf16> to vector<512x160xf32>
      %mul3A_30 = vector.broadcast %transpose3A : vector<512x1xf32> to vector<512x160xf32>
      %mul3A_31 = arith.mulf %convert_element_type3A_29, %mul3A_30 : vector<512x160xf32>
      %get3A_32 = arith.constant 0 : index
      %get3A_33 = arith.constant 0 : index
      %get3A_34 = vector.load %arg5[%get3A_32, %get3A_33] : memref<160x384xf32, #tpu.memory_space<vmem>>, vector<160x384xf32>
      %dot_general3A = arith.constant dense<0.000000e+00> : vector<512x384xf32>
      %dot_general3A_35 = tpu.matmul %mul3A_23, %get3A_34, %dot_general3A {dimension_numbers = #tpu.dot_dimension_numbers<[1], [0], [0], [1], [0, 0, 1, 1], [], []>, transpose_lhs_hint = false} : vector<512x160xf32>, vector<160x384xf32>, vector<512x384xf32> -> vector<512x384xf32>
      %get3A_36 = arith.constant 0 : index
      %get3A_37 = arith.constant 0 : index
      %get3A_38 = vector.load %arg6[%get3A_36, %get3A_37] : memref<160x384xf32, #tpu.memory_space<vmem>>, vector<160x384xf32>
      %dot_general3A_39 = arith.constant dense<0.000000e+00> : vector<512x384xf32>
      %dot_general3A_40 = tpu.matmul %mul3A_31, %get3A_38, %dot_general3A_39 {dimension_numbers = #tpu.dot_dimension_numbers<[1], [0], [0], [1], [0, 0, 1, 1], [], []>, transpose_lhs_hint = false} : vector<512x160xf32>, vector<160x384xf32>, vector<512x384xf32> -> vector<512x384xf32>
      %add3A_41 = arith.addf %dot_general3A_35, %dot_general3A_40 : vector<512x384xf32>
      %get3A_42 = arith.constant 0 : index
      %get3A_43 = arith.constant 0 : index
      %get3A_44 = vector.load %arg7[%get3A_42, %get3A_43] : memref<1x384xf32, #tpu.memory_space<vmem>>, vector<1x384xf32>
      %add3A_45 = vector.broadcast %get3A_44 : vector<1x384xf32> to vector<512x384xf32>
      %add3A_46 = arith.addf %add3A_41, %add3A_45 : vector<512x384xf32>
      %lt3A = arith.constant 10000 : i32
      %lt3A_47 = vector.broadcast %lt3A : i32 to vector<512x1xi32>
      %lt3A_48 = arith.cmpi slt, %add3A_8, %lt3A_47 : vector<512x1xi32>
      %max3A = arith.constant 0.000000e+00 : f32
      %max3A_49 = vector.broadcast %max3A : f32 to vector<512x384xf32>
      %max3A_50 = arith.maximumf %add3A_46, %max3A_49 : vector<512x384xf32>
      %jit3A = arith.constant 0.000000e+00 : f32
      %broadcast_in_dim3A = vector.shape_cast %lt3A_48 : vector<512x1xi1> to vector<512x1xi1>
      %broadcast_in_dim3A_51 = vector.broadcast %broadcast_in_dim3A : vector<512x1xi1> to vector<512x384xi1>
      %broadcast_in_dim3A_52 = vector.broadcast %jit3A : f32 to vector<512x384xf32>
      %select_n3A = arith.select %broadcast_in_dim3A_51, %max3A_50, %broadcast_in_dim3A_52 : vector<512x384xi1>, vector<512x384xf32>
      %mul3A_53 = arith.constant 512 : i32
      %mul3A_54 = arith.muli %arg1, %mul3A_53 : i32
      %swap3A = arith.index_cast %mul3A_54 : i32 to index
      %swap3A_55 = arith.constant 0 : index
      %swap3A_56 = vector.load %arg12[%swap3A, %swap3A_55] : memref<10240x384xf32, #tpu.memory_space<vmem>>, vector<512x384xf32>
      tpu.vector_store %arg12[%swap3A, %swap3A_55], %select_n3A {strides = array<i32>} : memref<10240x384xf32, #tpu.memory_space<vmem>>, vector<512x384xf32>,
      %reduce_sum3A = arith.constant dense<0.000000e+00> : vector<384xf32>
      %reduce_sum3A_57 = vector.multi_reduction <add>, %select_n3A, %reduce_sum3A [0] : vector<512x384xf32> to vector<384xf32>
      %broadcast_in_dim3A_58 = vector.shape_cast %reduce_sum3A_57 : vector<384xf32> to vector<1x384xf32>
      %mul3A_59 = arith.mulf %select_n3A, %select_n3A : vector<512x384xf32>
      %reduce_sum3A_60 = arith.constant dense<0.000000e+00> : vector<384xf32>
      %reduce_sum3A_61 = vector.multi_reduction <add>, %mul3A_59, %reduce_sum3A_60 [0] : vector<512x384xf32> to vector<384xf32>
      %broadcast_in_dim3A_62 = vector.shape_cast %reduce_sum3A_61 : vector<384xf32> to vector<1x384xf32>
      %concatenate3A = tpu.concatenate %broadcast_in_dim3A_58, %broadcast_in_dim3A_62 in 0 : vector<1x384xf32>, vector<1x384xf32> -> vector<2x384xf32>
      %eq3A_63 = arith.constant 0 : i32
      %eq3A_64 = arith.cmpi eq, %arg1, %eq3A_63 : i32
      %convert_element_type3A_65 = arith.extui %eq3A_64 : i1 to i32
      %cond3A_66 = arith.constant 0 : i32
      %cond3A_67 = arith.cmpi ne, %convert_element_type3A_65, %cond3A_66 : i32
      scf.if %cond3A_67 {
        %swap3A_72 = arith.constant 0 : index
        %swap3A_73 = arith.constant 0 : index
        %swap3A_74 = vector.load %arg13[%swap3A_72, %swap3A_73] : memref<2x384xf32, #tpu.memory_space<vmem>>, vector<2x384xf32>
        tpu.vector_store %arg13[%swap3A_72, %swap3A_73], %concatenate3A {strides = array<i32>} : memref<2x384xf32, #tpu.memory_space<vmem>>, vector<2x384xf32>,
      } else {
      }
      %gt3A = arith.constant 0 : i32
      %gt3A_68 = arith.cmpi sgt, %arg1, %gt3A : i32
      %convert_element_type3A_69 = arith.extui %gt3A_68 : i1 to i32
      %cond3A_70 = arith.constant 0 : i32
      %cond3A_71 = arith.cmpi ne, %convert_element_type3A_69, %cond3A_70 : i32
      scf.if %cond3A_71 {
        %get3A_72 = arith.constant 0 : index
        %get3A_73 = arith.constant 0 : index
        %get3A_74 = vector.load %arg13[%get3A_72, %get3A_73] : memref<2x384xf32, #tpu.memory_space<vmem>>, vector<2x384xf32>
        %add3A_75 = arith.addf %get3A_74, %concatenate3A : vector<2x384xf32>
        %swap3A_76 = arith.constant 0 : index
        %swap3A_77 = arith.constant 0 : index
        %swap3A_78 = vector.load %arg13[%swap3A_76, %swap3A_77] : memref<2x384xf32, #tpu.memory_space<vmem>>, vector<2x384xf32>
        tpu.vector_store %arg13[%swap3A_76, %swap3A_77], %add3A_75 {strides = array<i32>} : memref<2x384xf32, #tpu.memory_space<vmem>>, vector<2x384xf32>,
      } else {
      }
    } else {
    }
    %eq3A_11 = arith.constant 1 : i32
    %eq3A_12 = arith.cmpi eq, %arg0, %eq3A_11 : i32
    %convert_element_type3A_13 = arith.extui %eq3A_12 : i1 to i32
    %cond3A_14 = arith.constant 0 : i32
    %cond3A_15 = arith.cmpi ne, %convert_element_type3A_13, %cond3A_14 : i32
    scf.if %cond3A_15 {
      %get3A_16 = arith.constant 0 : index
      %get3A_17 = arith.constant 0 : index
      %get3A_18 = vector.load %arg13[%get3A_16, %get3A_17] : memref<2x384xf32, #tpu.memory_space<vmem>>, vector<2x384xf32>
      %slice3A_19 = vector.extract_strided_slice %get3A_18 {offsets = [0, 0], sizes = [1, 384], strides = [1, 1]} : vector<2x384xf32> to vector<1x384xf32>
      %div3A = arith.constant 1.000000e+04 : f32
      %div3A_20 = vector.broadcast %div3A : f32 to vector<1x384xf32>
      %div3A_21 = arith.divf %slice3A_19, %div3A_20 : vector<1x384xf32>
      %slice3A_22 = vector.extract_strided_slice %get3A_18 {offsets = [1, 0], sizes = [1, 384], strides = [1, 1]} : vector<2x384xf32> to vector<1x384xf32>
      %div3A_23 = arith.constant 1.000000e+04 : f32
      %div3A_24 = vector.broadcast %div3A_23 : f32 to vector<1x384xf32>
      %div3A_25 = arith.divf %slice3A_22, %div3A_24 : vector<1x384xf32>
      %mul3A_26 = arith.mulf %div3A_21, %div3A_21 : vector<1x384xf32>
      %sub3A = arith.subf %div3A_25, %mul3A_26 : vector<1x384xf32>
      %add3A_27 = arith.constant 1.000000e-03 : f32
      %add3A_28 = vector.broadcast %add3A_27 : f32 to vector<1x384xf32>
      %add3A_29 = arith.addf %sub3A, %add3A_28 : vector<1x384xf32>
      %rsqrt3A_30 = math.rsqrt %add3A_29 : vector<1x384xf32>
      %mul3A_31 = arith.constant 512 : i32
      %mul3A_32 = arith.muli %arg1, %mul3A_31 : i32
      %get3A_33 = arith.index_cast %mul3A_32 : i32 to index
      %get3A_34 = arith.constant 0 : index
      %get3A_35 = vector.load %arg12[%get3A_33, %get3A_34] : memref<10240x384xf32, #tpu.memory_space<vmem>>, vector<512x384xf32>
      %get3A_36 = arith.constant 0 : index
      %get3A_37 = arith.constant 0 : index
      %get3A_38 = vector.load %arg9[%get3A_36, %get3A_37] : memref<1x384xf32, #tpu.memory_space<vmem>>, vector<1x384xf32>
      %sub3A_39 = vector.broadcast %div3A_21 : vector<1x384xf32> to vector<512x384xf32>
      %sub3A_40 = arith.subf %get3A_35, %sub3A_39 : vector<512x384xf32>
      %mul3A_41 = vector.broadcast %get3A_38 : vector<1x384xf32> to vector<512x384xf32>
      %mul3A_42 = arith.mulf %mul3A_41, %sub3A_40 : vector<512x384xf32>
      %mul3A_43 = vector.broadcast %rsqrt3A_30 : vector<1x384xf32> to vector<512x384xf32>
      %mul3A_44 = arith.mulf %mul3A_42, %mul3A_43 : vector<512x384xf32>
      %get3A_45 = arith.constant 0 : index
      %get3A_46 = arith.constant 0 : index
      %get3A_47 = vector.load %arg10[%get3A_45, %get3A_46] : memref<1x384xf32, #tpu.memory_space<vmem>>, vector<1x384xf32>
      %add3A_48 = vector.broadcast %get3A_47 : vector<1x384xf32> to vector<512x384xf32>
      %add3A_49 = arith.addf %mul3A_44, %add3A_48 : vector<512x384xf32>
      %max3A = arith.constant 0.000000e+00 : f32
      %max3A_50 = vector.broadcast %max3A : f32 to vector<512x384xf32>
      %max3A_51 = arith.maximumf %add3A_49, %max3A_50 : vector<512x384xf32>
      %get3A_52 = arith.constant 0 : index
      %get3A_53 = arith.constant 0 : index
      %get3A_54 = vector.load %arg8[%get3A_52, %get3A_53] : memref<1x384xf32, #tpu.memory_space<vmem>>, vector<1x384xf32>
      %mul3A_55 = vector.broadcast %get3A_54 : vector<1x384xf32> to vector<512x384xf32>
      %mul3A_56 = arith.mulf %max3A_51, %mul3A_55 : vector<512x384xf32>
      %reduce_sum3A = arith.constant dense<0.000000e+00> : vector<512xf32>
      %reduce_sum3A_57 = vector.multi_reduction <add>, %mul3A_56, %reduce_sum3A [1] : vector<512x384xf32> to vector<512xf32>
      %broadcast_in_dim3A = vector.shape_cast %reduce_sum3A_57 : vector<512xf32> to vector<512x1xf32>
      %lt3A = arith.constant 10000 : i32
      %lt3A_58 = vector.broadcast %lt3A : i32 to vector<512x1xi32>
      %lt3A_59 = arith.cmpi slt, %add3A_8, %lt3A_58 : vector<512x1xi32>
      %mul3A_60 = arith.mulf %broadcast_in_dim3A, %transpose3A : vector<512x1xf32>
      %jit3A = arith.constant 0.000000e+00 : f32
      %broadcast_in_dim3A_61 = vector.broadcast %jit3A : f32 to vector<512x1xf32>
      %select_n3A = arith.select %lt3A_59, %mul3A_60, %broadcast_in_dim3A_61 : vector<512x1xi1>, vector<512x1xf32>
      %transpose3A_62 = tpu.transpose %select_n3A, [1, 0] : vector<512x1xf32> -> vector<1x512xf32>
      %broadcast_in_dim3A_63 = vector.shape_cast %transpose3A_62 : vector<1x512xf32> to vector<1x1x512xf32>
      %swap3A = arith.constant 0 : index
      %swap3A_64 = arith.constant 0 : index
      %swap3A_65 = arith.constant 0 : index
      %swap3A_66 = vector.load %arg11[%swap3A, %swap3A_64, %swap3A_65] : memref<1x1x512xf32, #tpu.memory_space<vmem>>, vector<1x1x512xf32>
      tpu.vector_store %arg11[%swap3A, %swap3A_64, %swap3A_65], %broadcast_in_dim3A_63 {strides = array<i32>} : memref<1x1x512xf32, #tpu.memory_space<vmem>>, vector<1x1x512xf32>,
    } else {
    }
    return
  }
  func.func @transform_0(%arg0: i32, %arg1: i32) -> (i32, i32, i32) {
    %sub3A = arith.constant 1 : i32
    %sub3A_0 = arith.subi %sub3A, %arg0 : i32
    %mul3A = arith.muli %arg1, %sub3A_0 : i32
    %c0_i32 = arith.constant 0 : i32
    %c0_i32_1 = arith.constant 0 : i32
    %c0_i32_2 = arith.constant 0 : i32
    return %c0_i32, %mul3A, %c0_i32_1 : i32, i32, i32
  }
  func.func @transform_1(%arg0: i32, %arg1: i32) -> (i32, i32, i32) {
    %sub3A = arith.constant 1 : i32
    %sub3A_0 = arith.subi %sub3A, %arg0 : i32
    %mul3A = arith.muli %arg1, %sub3A_0 : i32
    %c1_i32 = arith.constant 1 : i32
    %c0_i32 = arith.constant 0 : i32
    %c0_i32_1 = arith.constant 0 : i32
    return %c1_i32, %mul3A, %c0_i32 : i32, i32, i32
  }
  func.func @transform_2(%arg0: i32, %arg1: i32) -> (i32, i32) {
    %c0_i32 = arith.constant 0 : i32
    %c0_i32_0 = arith.constant 0 : i32
    return %c0_i32, %arg1 : i32, i32
  }
  func.func @transform_3(%arg0: i32, %arg1: i32) -> (i32, i32) {
    %c0_i32 = arith.constant 0 : i32
    %c0_i32_0 = arith.constant 0 : i32
    %c0_i32_1 = arith.constant 0 : i32
    return %c0_i32, %c0_i32_0 : i32, i32
  }
  func.func @transform_4(%arg0: i32, %arg1: i32) -> (i32, i32) {
    %c0_i32 = arith.constant 0 : i32
    %c0_i32_0 = arith.constant 0 : i32
    %c0_i32_1 = arith.constant 0 : i32
    return %c0_i32, %c0_i32_0 : i32, i32
  }
  func.func @transform_5(%arg0: i32, %arg1: i32) -> (i32, i32) {
    %c0_i32 = arith.constant 0 : i32
    %c0_i32_0 = arith.constant 0 : i32
    %c0_i32_1 = arith.constant 0 : i32
    return %c0_i32, %c0_i32_0 : i32, i32
  }
  func.func @transform_6(%arg0: i32, %arg1: i32) -> (i32, i32) {
    %c0_i32 = arith.constant 0 : i32
    %c0_i32_0 = arith.constant 0 : i32
    %c0_i32_1 = arith.constant 0 : i32
    return %c0_i32, %c0_i32_0 : i32, i32
  }
  func.func @transform_7(%arg0: i32, %arg1: i32) -> (i32, i32) {
    %c0_i32 = arith.constant 0 : i32
    %c0_i32_0 = arith.constant 0 : i32
    %c0_i32_1 = arith.constant 0 : i32
    return %c0_i32, %c0_i32_0 : i32, i32
  }
  func.func @transform_8(%arg0: i32, %arg1: i32) -> (i32, i32) {
    %c0_i32 = arith.constant 0 : i32
    %c0_i32_0 = arith.constant 0 : i32
    %c0_i32_1 = arith.constant 0 : i32
    return %c0_i32, %c0_i32_0 : i32, i32
  }
  func.func @transform_9(%arg0: i32, %arg1: i32) -> (i32, i32, i32) {
    %c0_i32 = arith.constant 0 : i32
    %c0_i32_0 = arith.constant 0 : i32
    %c0_i32_1 = arith.constant 0 : i32
    return %arg1, %c0_i32, %c0_i32_0 : i32, i32, i32
  }
}

module attributes {stable_mosaic.version = 14 : i64} {
  func.func @_fin_body(%arg0: memref<80x128xf32, #tpu.memory_space<vmem>>, %arg1: memref<2x80x128xf32, #tpu.memory_space<vmem>>, %arg2: memref<2x80x128xf32, #tpu.memory_space<vmem>>, %arg3: memref<1x1xf32, #tpu.memory_space<vmem>>, %arg4: memref<1x1xf32, #tpu.memory_space<vmem>>, %arg5: memref<1x1xf32, #tpu.memory_space<vmem>>, %arg6: memref<80x128xf32, #tpu.memory_space<vmem>>) attributes {dimension_semantics = [], scalar_prefetch = 0 : i64, scratch_operands = 0 : i64, tpu.core_type = #tpu.core_type<tc>} {
    %get3A = arith.constant 0 : index
    %get3A_0 = arith.constant 0 : index
    %get3A_1 = arith.constant 0 : index
    %get3A_2 = vector.load %arg2[%get3A, %get3A_0, %get3A_1] : memref<2x80x128xf32, #tpu.memory_space<vmem>>, vector<2x80x128xf32>
    %slice3A = vector.extract_strided_slice %get3A_2 {offsets = [0, 0, 0], sizes = [1, 80, 128], strides = [1, 1, 1]} : vector<2x80x128xf32> to vector<1x80x128xf32>
    %squeeze3A = vector.shape_cast %slice3A : vector<1x80x128xf32> to vector<80x128xf32>
    %slice3A_3 = vector.extract_strided_slice %get3A_2 {offsets = [1, 0, 0], sizes = [1, 80, 128], strides = [1, 1, 1]} : vector<2x80x128xf32> to vector<1x80x128xf32>
    %squeeze3A_4 = vector.shape_cast %slice3A_3 : vector<1x80x128xf32> to vector<80x128xf32>
    %add3A = arith.addf %squeeze3A, %squeeze3A_4 : vector<80x128xf32>
    %add3A_5 = arith.constant 1.000000e+00 : f32
    %add3A_6 = vector.broadcast %add3A_5 : f32 to vector<80x128xf32>
    %add3A_7 = arith.addf %add3A, %add3A_6 : vector<80x128xf32>
    %rsqrt3A = math.rsqrt %add3A_7 : vector<80x128xf32>
    %get3A_8 = arith.constant 0 : index
    %get3A_9 = arith.constant 0 : index
    %get3A_10 = vector.load %arg0[%get3A_8, %get3A_9] : memref<80x128xf32, #tpu.memory_space<vmem>>, vector<80x128xf32>
    %get3A_11 = arith.constant 0 : index
    %get3A_12 = arith.constant 0 : index
    %get3A_13 = arith.constant 0 : index
    %get3A_14 = vector.load %arg1[%get3A_11, %get3A_12, %get3A_13] : memref<2x80x128xf32, #tpu.memory_space<vmem>>, vector<1x80x128xf32>
    %get3A_15 = vector.shape_cast %get3A_14 : vector<1x80x128xf32> to vector<80x128xf32>
    %add3A_16 = arith.addf %get3A_10, %get3A_15 : vector<80x128xf32>
    %get3A_17 = arith.constant 1 : index
    %get3A_18 = arith.constant 0 : index
    %get3A_19 = arith.constant 0 : index
    %get3A_20 = vector.load %arg1[%get3A_17, %get3A_18, %get3A_19] : memref<2x80x128xf32, #tpu.memory_space<vmem>>, vector<1x80x128xf32>
    %get3A_21 = vector.shape_cast %get3A_20 : vector<1x80x128xf32> to vector<80x128xf32>
    %add3A_22 = arith.addf %add3A_16, %get3A_21 : vector<80x128xf32>
    %mul3A = arith.mulf %rsqrt3A, %add3A_22 : vector<80x128xf32>
    %get3A_23 = arith.constant 0 : index
    %get3A_24 = arith.constant 0 : index
    %get3A_25 = vector.load %arg3[%get3A_23, %get3A_24] : memref<1x1xf32, #tpu.memory_space<vmem>>, vector<1x1xf32>
    %get3A_26 = vector.extract %get3A_25[0, 0] : f32 from vector<1x1xf32>
    %add3A_27 = vector.broadcast %get3A_26 : f32 to vector<80x128xf32>
    %add3A_28 = arith.addf %mul3A, %add3A_27 : vector<80x128xf32>
    %iota3A = tpu.iota {dimensions = array<i32: 0>} : vector<80x128xi32>
    %iota3A_29 = tpu.iota {dimensions = array<i32: 1>} : vector<80x128xi32>
    %mul3A_30 = arith.constant 128 : i32
    %mul3A_31 = vector.broadcast %mul3A_30 : i32 to vector<80x128xi32>
    %mul3A_32 = arith.muli %iota3A, %mul3A_31 : vector<80x128xi32>
    %add3A_33 = arith.addi %mul3A_32, %iota3A_29 : vector<80x128xi32>
    %lt3A = arith.constant 10000 : i32
    %lt3A_34 = vector.broadcast %lt3A : i32 to vector<80x128xi32>
    %lt3A_35 = arith.cmpi slt, %add3A_33, %lt3A_34 : vector<80x128xi32>
    %jit3A = arith.constant 0.000000e+00 : f32
    %broadcast_in_dim3A = vector.broadcast %jit3A : f32 to vector<80x128xf32>
    %select_n3A = arith.select %lt3A_35, %add3A_28, %broadcast_in_dim3A : vector<80x128xi1>, vector<80x128xf32>
    %reduce_sum3A = vector.shape_cast %select_n3A : vector<80x128xf32> to vector<1x80x128xf32>
    %reduce_sum3A_36 = arith.constant dense<0.000000e+00> : vector<1xf32>
    %reduce_sum3A_37 = vector.multi_reduction <add>, %reduce_sum3A, %reduce_sum3A_36 [1, 2] : vector<1x80x128xf32> to vector<1xf32>
    %reduce_sum3A_38 = vector.shape_cast %reduce_sum3A_37 : vector<1xf32> to vector<1x1x1xf32>
    %reduce_sum3A_39 = vector.extract %reduce_sum3A_38[0, 0, 0] : f32 from vector<1x1x1xf32>
    %div3A = arith.constant 1.000000e+04 : f32
    %div3A_40 = arith.divf %reduce_sum3A_39, %div3A : f32
    %sub3A = vector.broadcast %div3A_40 : f32 to vector<80x128xf32>
    %sub3A_41 = arith.subf %add3A_28, %sub3A : vector<80x128xf32>
    %integer_pow3A = arith.mulf %sub3A_41, %sub3A_41 : vector<80x128xf32>
    %jit3A_42 = arith.constant 0.000000e+00 : f32
    %broadcast_in_dim3A_43 = vector.broadcast %jit3A_42 : f32 to vector<80x128xf32>
    %select_n3A_44 = arith.select %lt3A_35, %integer_pow3A, %broadcast_in_dim3A_43 : vector<80x128xi1>, vector<80x128xf32>
    %reduce_sum3A_45 = vector.shape_cast %select_n3A_44 : vector<80x128xf32> to vector<1x80x128xf32>
    %reduce_sum3A_46 = arith.constant dense<0.000000e+00> : vector<1xf32>
    %reduce_sum3A_47 = vector.multi_reduction <add>, %reduce_sum3A_45, %reduce_sum3A_46 [1, 2] : vector<1x80x128xf32> to vector<1xf32>
    %reduce_sum3A_48 = vector.shape_cast %reduce_sum3A_47 : vector<1xf32> to vector<1x1x1xf32>
    %reduce_sum3A_49 = vector.extract %reduce_sum3A_48[0, 0, 0] : f32 from vector<1x1x1xf32>
    %div3A_50 = arith.constant 1.000000e+04 : f32
    %div3A_51 = arith.divf %reduce_sum3A_49, %div3A_50 : f32
    %get3A_52 = arith.constant 0 : index
    %get3A_53 = arith.constant 0 : index
    %get3A_54 = vector.load %arg4[%get3A_52, %get3A_53] : memref<1x1xf32, #tpu.memory_space<vmem>>, vector<1x1xf32>
    %get3A_55 = vector.extract %get3A_54[0, 0] : f32 from vector<1x1xf32>
    %sub3A_56 = vector.broadcast %div3A_40 : f32 to vector<80x128xf32>
    %sub3A_57 = arith.subf %add3A_28, %sub3A_56 : vector<80x128xf32>
    %mul3A_58 = vector.broadcast %get3A_55 : f32 to vector<80x128xf32>
    %mul3A_59 = arith.mulf %mul3A_58, %sub3A_57 : vector<80x128xf32>
    %add3A_60 = arith.constant 1.000000e-03 : f32
    %add3A_61 = arith.addf %div3A_51, %add3A_60 : f32
    %rsqrt3A_62 = math.rsqrt %add3A_61 : f32
    %mul3A_63 = vector.broadcast %rsqrt3A_62 : f32 to vector<80x128xf32>
    %mul3A_64 = arith.mulf %mul3A_59, %mul3A_63 : vector<80x128xf32>
    %get3A_65 = arith.constant 0 : index
    %get3A_66 = arith.constant 0 : index
    %get3A_67 = vector.load %arg5[%get3A_65, %get3A_66] : memref<1x1xf32, #tpu.memory_space<vmem>>, vector<1x1xf32>
    %get3A_68 = vector.extract %get3A_67[0, 0] : f32 from vector<1x1xf32>
    %add3A_69 = vector.broadcast %get3A_68 : f32 to vector<80x128xf32>
    %add3A_70 = arith.addf %mul3A_64, %add3A_69 : vector<80x128xf32>
    %max3A = arith.constant 0.000000e+00 : f32
    %max3A_71 = vector.broadcast %max3A : f32 to vector<80x128xf32>
    %max3A_72 = arith.maximumf %add3A_70, %max3A_71 : vector<80x128xf32>
    %logistic3A = arith.negf %max3A_72 : vector<80x128xf32>
    %logistic3A_73 = math.exp %logistic3A : vector<80x128xf32>
    %logistic3A_74 = arith.constant 1.000000e+00 : f32
    %logistic3A_75 = vector.broadcast %logistic3A_74 : f32 to vector<80x128xf32>
    %logistic3A_76 = arith.addf %logistic3A_75, %logistic3A_73 : vector<80x128xf32>
    %logistic3A_77 = arith.divf %logistic3A_75, %logistic3A_76 : vector<80x128xf32>
    %swap3A = arith.constant 0 : index
    %swap3A_78 = arith.constant 0 : index
    %swap3A_79 = vector.load %arg6[%swap3A, %swap3A_78] : memref<80x128xf32, #tpu.memory_space<vmem>>, vector<80x128xf32>
    tpu.vector_store %arg6[%swap3A, %swap3A_78], %logistic3A_77 {strides = array<i32>} : memref<80x128xf32, #tpu.memory_space<vmem>>, vector<80x128xf32>,
    return
  }
}

</mosaic_0001>

<sc_bundles>
// kernel: kernel.11.cloned.1.call-start
scs
__scs_entry_jumppad:
0x0: {  	(pc) =	sbr.rel $0x88, $3  }
0x1: {  	(tag) =	ssettag $0x0;
	lr =	simm.s32 $0x1  }
0x2: {  	[smem:$0x3F97] =	sst lr;
	_ =	strace $0xD0000000  }
0x3: {  	_ = 	snop  }
0x4: {  	_ = 	snop  }
0x5: {  	_ = 	snop  }
0x6: {  	_ = 	snop  }
0x7: {  	_ = 	snop  }
__scs_overlays_trampoline_lowered:
0x8: {  	[smem:$0x3FA6] =	sst s0  }
0x9: {  	[smem:$0x3FA7] =	sst s1  }
0xa: {  	[smem:$0x3FA8] =	sst s2  }
0xb: {  	[smem:$0x3FA9] =	sst s3  }
0xc: {  	[smem:$0x3FAA] =	sst s4  }
0xd: {  	[smem:$0x3FAB] =	sst s5  }
0xe: {  	[smem:$0x3FAC] =	sst s6  }
0xf: {  	[smem:$0x3FAD] =	sst s7  }
0x10: {  	[smem:$0x3FAE] =	sst s8  }
0x11: {  	[smem:$0x3FAF] =	sst s9;
	s0 =	simm.s32 @!p0 $0x0  }
0x12: {  	s1 =	sld [smem:$0x3F95];
	s0 =	simm.s32 @p0 $0x1  }
0x13: {  	[smem:$0x3FB0] =	sst s0;
	s0 =	simm.s32 @!p1 $0x0  }
0x14: {  	s2 =	sld [smem:$0x3F94];
	s0 =	simm.s32 @p1 $0x1  }
0x15: {  	[smem:$0x3FB1] =	sst s0;
	s0 =	simm.s32 @!p2 $0x0  }
0x16: {  	s3 =	sld [smem:$0x3FDB];
	s0 =	simm.s32 @p2 $0x1  }
0x17: {  	s4 =	simm.s32 $0x1BF5;
	[smem:$0x3FB3] =	sst s0  }
0x18: {  	s0 =	sld [smem:$0x3F96];
	_ =	swait.ge [sflag:s4], $0x0  }
0x19: {  	s7 =	sld [smem:$0x3F97]  }
0x1a: {  	s8 =	sadd.s32 $0xFFFFE003, lr  }
0x1b: {  	s9 =	sadd.s32 $0xFFFFFEF7, lr;
	s5 =	simm.s32 $0xFFFFFFFF;
	p2 =	slt.u32 s8, $0xFFFFF086  }
0x1c: {  	p1 =	slt.u32 s9, $0xF7A;
	s5 =	simm.s32 @!p2 $0x0  }
0x1d: {  	s5 =	simm.s32 @p1 $0x1;
	p0 =	seq.s32 s7, s2  }
0x1e: {  	s7 =	smul.u32 @!p0 $0xF7A, s2;
	p2 =	seq.s32 @!p0 s5, $0x0  }
0x1f: {  	s9 =	smul.u32 $0xF7A, s1;
	s8 =	simm.s32 @!p0 $0x1BF5;
	p2 =	por !p2, p0  }
0x20: {  	[sflag:s8] =	ssyncset.s32 @!p0 $0xFFFFF086;
	s6 =	sadd.s32 @!p0 s3, s7;
	s7 =	simm.s32 @!p0 $0x108  }
0x21: {  	s3 =	sadd.s32 s3, s9;
	s6 =	sadd.s32 @!p0 $0x88, s6;
	s7 =	simm.s32 @p2 $0x1082  }
0x22: {  	[simem:s7], [sflag:s8] =	dma.local @!p0 [hbm:s6], $0xF7A  }
0x23: {  	s9 =	sor.u32 $0xD0000000, s2;
	s6 =	simm.s32 $0x108;
	_ =	swait.ge @!p0 [sflag:s8], $0x0  }
0x24: {  	s3 =	sadd.s32 $0x88, s3;
	s6 =	simm.s32 @!p1 $0x1082;
	[sflag:s4] =	ssyncset.s32 $0xFFFFF086  }
0x25: {  	[simem:s6], [sflag:s4] =	dma.local [hbm:s3], $0xF7A  }
0x26: {  	[smem:$0x3F97] =	sst s1;
	(tag) =	ssettag s2;
	_ =	strace s9  }
0x27: {  	s1 =	sld [smem:$0x3FA7]  }
0x28: {  	s2 =	sld [smem:$0x3FA8]  }
0x29: {  	s4 =	sld [smem:$0x3FAA]  }
0x2a: {  	p0 =	seq.s32 s5, $0x0;
	s5 =	sld [smem:$0x3FAB]  }
0x2b: {  	s6 =	sld [smem:$0x3FAC]  }
0x2c: {  	s7 =	sld [smem:$0x3FAD]  }
0x2d: {  	s3 =	simm.s32 $0x108;
	s8 =	sld [smem:$0x3FAE]  }
0x2e: {  	s3 =	simm.s32 @!p0 $0x1082;
	s9 =	sld [smem:$0x3FAF]  }
0x2f: {  	lr =	sadd.s32 s0, s3;
	s0 =	sld [smem:$0x3FA6]  }
0x30: {  	s3 =	sld [smem:$0x3FA9]  }
0x31: {  	[smem:$0x3FB2] =	sst s10  }
0x32: {  	s10 =	sld [smem:$0x3FB0];
	_ =	sdelay $0x3  }
0x33: {  	p0 =	seq.s32 s10, $0x1;
	s10 =	sld [smem:$0x3FB2];
	_ =	sdelay $0x3  }
0x34: {  	[smem:$0x3FB2] =	sst s10  }
0x35: {  	s10 =	sld [smem:$0x3FB1];
	_ =	sdelay $0x3  }
0x36: {  	p1 =	seq.s32 s10, $0x1;
	s10 =	sld [smem:$0x3FB2];
	_ =	sdelay $0x3  }
0x37: {  	[smem:$0x3FB2] =	sst s10  }
0x38: {  	s10 =	sld [smem:$0x3FB3]  }
0x39: {  	_ = 	snop;
	(pc) =	sbr.ind lr, $3  }
0x3a: {  	_ = 	snop  }
0x3b: {  	_ = 	snop  }
0x3c: {  	p2 =	seq.s32 s10, $0x1;
	s10 =	sld [smem:$0x3FB2]  }
0x3d: {  	_ =	shalt  }
0x3e: {  	_ =	shalt  }
0x3f: {  	_ =	shalt  }
0x40: {  	_ =	shalt  }
0x41: {  	_ =	shalt  }
0x42: {  	_ =	shalt  }
0x43: {  	_ =	shalt  }
0x44: {  	_ =	shalt  }
0x45: {  	_ =	shalt  }
0x46: {  	_ =	shalt  }
0x47: {  	_ =	shalt  }
0x48: {  	_ =	shalt  }
0x49: {  	_ =	shalt  }
0x4a: {  	_ =	shalt  }
0x4b: {  	_ =	shalt  }
0x4c: {  	_ =	shalt  }
0x4d: {  	_ =	shalt  }
0x4e: {  	_ =	shalt  }
0x4f: {  	_ =	shalt  }
0x50: {  	_ =	shalt  }
0x51: {  	_ =	shalt  }
0x52: {  	_ =	shalt  }
0x53: {  	_ =	shalt  }
0x54: {  	_ =	shalt  }
0x55: {  	_ =	shalt  }
0x56: {  	_ =	shalt  }
0x57: {  	_ =	shalt  }
0x58: {  	_ =	shalt  }
0x59: {  	_ =	shalt  }
0x5a: {  	_ =	shalt  }
0x5b: {  	_ =	shalt  }
0x5c: {  	_ =	shalt  }
0x5d: {  	_ =	shalt  }
0x5e: {  	_ =	shalt  }
0x5f: {  	_ =	shalt  }
0x60: {  	_ =	shalt  }
0x61: {  	_ =	shalt  }
0x62: {  	_ =	shalt  }
0x63: {  	_ =	shalt  }
0x64: {  	_ =	shalt  }
0x65: {  	_ =	shalt  }
0x66: {  	_ =	shalt  }
0x67: {  	_ =	shalt  }
0x68: {  	_ =	shalt  }
0x69: {  	_ =	shalt  }
0x6a: {  	_ =	shalt  }
0x6b: {  	_ =	shalt  }
0x6c: {  	_ =	shalt  }
0x6d: {  	_ =	shalt  }
0x6e: {  	_ =	shalt  }
0x6f: {  	_ =	shalt  }
0x70: {  	_ =	shalt  }
0x71: {  	_ =	shalt  }
0x72: {  	_ =	shalt  }
0x73: {  	_ =	shalt  }
0x74: {  	_ =	shalt  }
0x75: {  	_ =	shalt  }
0x76: {  	_ =	shalt  }
0x77: {  	_ =	shalt  }
0x78: {  	_ =	shalt  }
0x79: {  	_ =	shalt  }
0x7a: {  	_ =	shalt  }
0x7b: {  	_ =	shalt  }
0x7c: {  	_ =	shalt  }
0x7d: {  	_ =	shalt  }
0x7e: {  	_ =	shalt  }
0x7f: {  	_ =	shalt  }
0x80: {  	_ =	shalt  }
0x81: {  	_ =	shalt  }
0x82: {  	_ =	shalt  }
0x83: {  	_ =	shalt  }
0x84: {  	_ =	shalt  }
0x85: {  	_ =	shalt  }
0x86: {  	_ =	shalt  }
0x87: {  	_ =	shalt  }
.Lfunc_end0:
.L_simem_size_0:
called_computation.1_lowered:
.L_overlay_start_0:
0x88: {  	s2 =	sld [smem:$0x3FD9]  }
0x89: {  	s3 =	sld [smem:$0x3FFE];
	_ =	sdelay $0x1  }
0x8a: {  	s1 =	srdreg.scid  }
0x8b: {  	s0 =	sand.u32 $0x1, s1  }
0x8c: {  	s16 =	sshll.u32 s0, $0xA;
	s2 =	sadd.s32 s3, s2  }
0x8d: {  	s2 =	sadd.s32 s2, s16  }
0x8e: {  	[smem:$0x3FBE] =	sst s2  }
0x8f: {  	_ = 	snop  }
0x90: {  	(tm) =	ssettm $0x1  }
0x91: {  	s17 =	sld [smem:$0x3FFB];
	_ =	sdelay $0x3  }
0x92: {  	_ =	strace s17  }
0x93: {  	s2 =	sld [smem:$0x3FFC];
	_ =	sdelay $0x3  }
0x94: {  	_ =	strace s2  }
0x95: {  	s2 =	sld [smem:$0x3FFD];
	_ =	sdelay $0x3  }
0x96: {  	_ =	strace s2  }
0x97: {  	_ =	strace $0x8FFFFFFF  }
0x98: {  	s18 =	sld [smem:$0x3FDB];
	_ =	sdelay $0x1  }
0x99: {  	s19 =	simm.s32 $_scs_section_size  }
0x9a: {  	s4 =	simm.s32 $_size__tile_overlayer_lowered;
	s5 =	simm.s32 $_tile_overlayer_lowered  }
0x9b: {  	s22 =	simm.s32 $0x1BFF;
	s21 =	sshll.u32 s5, $0x1;
	s2 =	sadd.s32 s19, s18  }
0x9c: {  	s6 =	simm.s32 $0x0;
	s20 =	sshll.u32 s4, $0x1;
	s4 =	sadd.s32 s21, s2  }
0x9d: {  	[timem:s6], [sflag:s22] =	dma.local [hbm:s4], s20  }
0x9e: {  	_ =	swait.ge [sflag:s22], s20  }
0x9f: {  	s3 =	ssub.s32 $0x0, s20;
	[sflag:s22] =	ssyncset.done $0x0  }
0xa0: {  	[sflag:s22] =	ssyncadd.s32 s3;
	_ =	sdelay $0x1  }
0xa1: {  	s23 =	simm.s32 $0x1B8B  }
0xa2: {  	_ =	swait.ge [sflag:s23], $0x1  }
0xa3: {  	[sflag:s23] =	ssyncset.done $0x0  }
0xa4: {  	s25 =	simm.s32 $0x1B8E;
	s24 =	sld [smem:$0x3FFE];
	[sflag:s23] =	ssyncadd.s32 $0xFFFFFFFF  }
0xa5: {  	s26 =	simm.s32 $execute0_lowered;
	[smem:$0x3FD2] =	sst s25  }
0xa6: {  	s4 =	sshll.u32 s26, $0x1;
	_ =	strace $0x80000049;
	[dreg:$0x1] =	wrdreg $0xFFFFFFFF  }
0xa7: {  	s28 =	simm.s32 $_size_execute0_lowered;
	s2 =	sadd.s32 s2, s4;
	[dreg:$0x0] =	wrdreg $0x0  }
0xa8: {  	s4 =	sshll.u32 s28, $0x1;
	[dreg:$0x2] =	wrdreg s2  }
0xa9: {  	[dreg:$0x3] =	wrdreg s4  }
0xaa: {  	[dreg:$0x4] =	wrdreg $0xC0  }
0xab: {  	_ =	task [dreg:s6], $0x5FFFF  }
0xac: {  	[dreg:$0x1] =	wrdreg $0xFFFFFFFF  }
0xad: {  	[dreg:$0x0] =	wrdreg $0x60  }
0xae: {  	[dreg:$0x2] =	wrdreg s24  }
0xaf: {  	[dreg:$0x3] =	wrdreg $0xAC000  }
0xb0: {  	[dreg:$0x4] =	wrdreg $0x9  }
0xb1: {  	_ =	task.clear_ibuf [dreg:s6], $0x5FFFF;
	_ =	strace $0x90000049  }
0xb2: {  	s29 =	simm.s32 $0x9;
	_ =	strace $0x8000004B  }
0xb3: {  	_ =	swait.ge [sflag:s29], $0x1  }
0xb4: {  	[sflag:s29] =	ssyncadd.s32 $0xFFFFFFFF  }
0xb5: {  	_ =	strace $0x9000004B  }
0xb6: {  	_ =	sfence  }
0xb7: {  	s30 =	sld [smem:$0x0];
	_ =	sdelay $0x2  }
0xb8: {  	s31 =	sshll.u32 s1, $0xD;
	s1 =	sshrl.u32 s1, $0x2  }
0xb9: {  	s3 =	sand.u32 $0x4000, s31;
	s1 =	sadd.s32 s1, s30  }
0xba: {  	s0 =	sor.u32 s3, s0;
	s1 =	sshll.u32 s1, $0x11  }
0xbb: {  	s0 =	sor.u32 s1, s0  }
0xbc: {  	s0 =	sadd.s32 $0x8F2B, s0  }
0xbd: {  	[sflag:s0] =	ssyncadd.remote.s32 $0x1  }
0xbe: {  	_ =	sfence.sel $0xFFFF  }
0xbf: {  	[dreg:$0x0] =	wrdreg $0xFFFFFFFF;
	(pc) =	sbr.abs _section_cstart, $3  }
0xc0: {  	[dreg:$0x1] =	wrdreg $0xFFFFFFFF  }
0xc1: {  	_ =	task.clear_ibuf [dreg:s6], $0x2FFFF;
	_ =	strace $0x9FFFFFFF  }
0xc2: {  	(tm) =	ssettm $0x7FFFFFFF  }
0xc3: {  	_ =	shalt  }
tec
execute0_lowered:
.L_overlay_start_1:
0x0: {  	(tag) =	ssettag $0x1  }
0x1: {  	s5 =	rddreg [dreg:$0x0]  }
0x2: {  	s2 =	rddreg [dreg:$0x1]  }
0x3: {  	s0 =	rddreg [dreg:$0x2]  }
0x4: {  	s1 =	stileid.u32;
	s4 =	srdreg.scid  }
0x5: {  	s3 =	simm.s32 $0x0;
	s15 =	simm.s32 $0xC00;
	s16 =	simm.s32 $0xA00  }
0x6: {  	s17 =	simm.s32 $0x1;
	s18 =	simm.s32 $0x5C00;
	s19 =	simm.s32 $0xB00  }
0x7: {  	s20 =	simm.s32 $0x2;
	s21 =	simm.s32 $0x3;
	s6 =	smul.u32 $0x500, s1  }
0x8: {  	s22 =	simm.s32 $0x4;
	s23 =	simm.s32 $0x0;
	s9 =	smul.u32 $0x1900, s1  }
0x9: {  	s7 =	sand.u32 $0x1, s4;
	[smem:$0x7FF] =	sst s3;
	s26 =	smul.u32 $0x32000, s1  }
0xa: {  	s4 =	sadd.s32 $0x7600, s5;
	s11 =	sadd.s32 $0x7CA00, s5;
	s12 =	smul.u32 $0x2800, s1  }
0xb: {  	s30 =	sshll.u32 s1, $0x6;
	s8 =	smul.u32 $0x19000, s7;
	_ =	strace $0x8000004A  }
0xc: {  	s28 =	ssub.s32 $0x2, s7;
	s7 =	smul.u32 $0x28000, s7;
	s10 =	sadd.s32 s6, s5  }
0xd: {  	s13 =	sshrl.u32 s28, $0x1;
	s6 =	sshrl.u32 s26, $0x2;
	s8 =	sadd.s32 s9, s8  }
0xe: {  	s9 =	ssub.s32 s28, s13;
	s29 =	sadd.s32 s6, s2;
	s7 =	sadd.s32 s12, s7  }
.Ltmp0:
0xf: {  	s6 =	sor.u32 $0x1C05, s30;
	s10 =	sadd.s32 $0x1600, s10;
	(pc) =	sbr.rel .LBB2_1-.Ltmp0, $4  }
0x10: {  	s13 =	simm.s32 $0x5;
	s14 =	sadd.s32 s8, s5;
	s5 =	sadd.s32 s4, s8  }
0x11: {  	s31 =	sshrl.u32 s7, $0x3;
	s12 =	sor.u32 $0x200, s7;
	s9 =	smax.u32 s9, $0x1  }
0x12: {  	s7 =	sadd.s32 s11, s31;
	s8 =	sadd.s32 $0x39600, s14;
	s12 =	sshrl.u32 s12, $0x3  }
0x13: {  	s14 =	simm.s32 $0x100;
	s11 =	sadd.s32 s12, s11;
	s12 =	sshrl.u32 s29, $0x3  }
.LBB2_4:
0x14: {  	[spmem:s2] =	stream.indirect.scatter.add.bf16 [tilespmem:s18], [sflag:$0x4], $0x50, s19, s14, $0xb8;
	[tilespmem:$0x17400] =	vst v63  }
0x15: {  	_ =	swait.ge [sflag:s21], $0x5000  }
0x16: {  	[sflag:s21] =	ssyncset.done $0x0  }
0x17: {  	[sflag:s21] =	ssyncadd.s32 $0xFFFFB000  }
0x18: {  	_ =	swait.ge [sflag:s22], $0x5000  }
0x19: {  	s23 =	sadd.s32 $0x1, s23;
	[sflag:s22] =	ssyncset.done $0x0  }
0x1a: {  	p0 =	sne.s32 s23, s9;
	[sflag:s22] =	ssyncadd.s32 $0xFFFFB000  }
.Ltmp1:
0x1b: {  	[bflag:$0x0] =	sbarrier.arrive $0xFFFF;
	(pc) =	sbr.rel @!p0 .LBB2_5-.Ltmp1, $4  }
0x1c: {  	[hbm:s8], [sflag:s6] =	dma.local [spmem:s12], $0x1900  }
0x1d: {  	_ =	swait.ge [sflag:s13], $0x1900  }
0x1e: {  	[sflag:s13] =	ssyncset.done $0x0  }
0x1f: {  	[sflag:s13] =	ssyncadd.s32 $0xFFFFE700  }
.LBB2_1:
0x20: {  	[spmem:s12], [sflag:s6] =	dma.local [hbm:s5], $0x1900  }
0x21: {  	_ =	swait.ge [sflag:s13], $0x1900  }
0x22: {  	[sflag:s13] =	ssyncset.done $0x0  }
0x23: {  	[sflag:s13] =	ssyncadd.s32 $0xFFFFE700  }
0x24: {  	[bflag:$0x0] =	sbarrier.arrive $0xFFFF  }
0x25: {  	[tilespmem:s3], [sflag:$0x5] =	stream.linear.gather [hbm4b:s7+s3], $0xA00, $0x38;
	[tilespmem:$0x17400] =	vst v63  }
0x26: {  	_ =	swait.ge [sflag:s13], $0xA00  }
0x27: {  	[sflag:s13] =	ssyncset.done $0x0  }
0x28: {  	s24 =	simm.s32 $0x2;
	s25 =	simm.s32 $0x0;
	[sflag:s13] =	ssyncadd.s32 $0xFFFFF600  }
0x29: {  	[tilespmem:s15], [sflag:$0x1] =	stream.indirect.gather [hbm4b:s4+s14], $0x50, s3, s14, $0xb8;
	[tilespmem:$0x17400] =	vst v63  }
.LBB2_2:
0x2a: {  	s26 =	sadd.s32 $0xFFFFFFFF, s24;
	s28 =	sadd.s32 s25, s10  }
0x2b: {  	[tilespmem:s16], [sflag:$0x5] =	stream.linear.gather [hbm4b:s28+s3], $0x100, $0x38;
	[tilespmem:$0x17400] =	vst v63  }
0x2c: {  	s29 =	smul.u32 $0xCD, s26;
	_ =	swait.ge [sflag:s13], $0x100  }
0x2d: {  	[sflag:s13] =	ssyncset.done $0x0  }
0x2e: {  	s29 =	sshrl.u32 s29, $0xB;
	[sflag:s13] =	ssyncadd.s32 $0xFFFFFF00  }
0x2f: {  	s29 =	sand.u32 $0x1F, s29;
	_ =	swait.ge [sflag:s17], $0x5000  }
0x30: {  	p0 =	seq.s32 s25, $0x0;
	s29 =	smul.u32 $0xA, s29;
	[sflag:s17] =	ssyncset.done $0x0  }
0x31: {  	s30 =	simm.s32 @!p0 $0x4;
	[sflag:s17] =	ssyncadd.s32 $0xFFFFB000  }
0x32: {  	s26 =	ssub.s32 s26, s29;
	_ =	swait.ge @!p0 [sflag:s30], $0x5000  }
0x33: {  	s26 =	sand.u32 $0xFF, s26;
	[sflag:s30] =	ssyncset.done @!p0 $0x0  }
0x34: {  	s26 =	sshll.u32 s26, $0x8;
	[sflag:s30] =	ssyncadd.s32 @!p0 $0xFFFFB000  }
0x35: {  	[tilespmem:s18], [sflag:$0x2] =	stream.indirect.gather [hbm4b:s4+s14], $0x50, s26, s14, $0xb8;
	[tilespmem:$0x17400] =	vst v63  }
0x36: {  	_ = 	snop  }
0x37: {  	[spmem:s2] =	stream.indirect.scatter.add.bf16 [tilespmem:s15], [sflag:$0x3], $0x50, s16, s14, $0xb8;
	[tilespmem:$0x17400] =	vst v63  }
0x38: {  	s31 =	sadd.s32 $0x20, s28  }
0x39: {  	[tilespmem:s19], [sflag:$0x5] =	stream.linear.gather [hbm4b:s31+s3], $0x100, $0x38;
	[tilespmem:$0x17400] =	vst v63  }
0x3a: {  	p0 =	seq.s32 s25, $0x4C0;
	_ =	swait.ge [sflag:s13], $0x100  }
.Ltmp2:
0x3b: {  	[sflag:s13] =	ssyncset.done $0x0;
	(pc) =	sbr.rel @p0 .LBB2_4-.Ltmp2, $4  }
0x3c: {  	[sflag:s13] =	ssyncadd.s32 $0xFFFFFF00  }
0x3d: {  	_ =	swait.ge [sflag:s20], $0x5000  }
0x3e: {  	[sflag:s20] =	ssyncset.done $0x0  }
0x3f: {  	[sflag:s20] =	ssyncadd.s32 $0xFFFFB000  }
0x40: {  	s26 =	smul.u32 $0xCD, s24;
	_ =	sdelay $0x1  }
0x41: {  	s26 =	sshrl.u32 s26, $0xB  }
0x42: {  	s26 =	sand.u32 $0x1F, s26  }
0x43: {  	s26 =	smul.u32 $0xA, s26;
	_ =	sdelay $0x1  }
0x44: {  	s26 =	ssub.s32 s24, s26  }
0x45: {  	s26 =	sand.u32 $0xFF, s26  }
0x46: {  	p0 =	sne.s32 s26, $0x0  }
0x47: {  	s28 =	sadd.s32 @!p0 s25, s11;
	s29 =	simm.s32 @!p0 $0x0  }
0x48: {  	[tilespmem:s29], [sflag:$0x5] =	stream.linear.gather @!p0 [hbm4b:s28+s29], $0xA00, $0x38;
	[tilespmem:$0x17400] =	vst v63  }
0x49: {  	s28 =	simm.s32 @!p0 $0x5  }
0x4a: {  	_ =	swait.ge @!p0 [sflag:s28], $0xA00  }
0x4b: {  	[sflag:s28] =	ssyncset.done @!p0 $0x0  }
0x4c: {  	[sflag:s28] =	ssyncadd.s32 @!p0 $0xFFFFF600  }
0x4d: {  	_ =	swait.ge [sflag:s21], $0x5000  }
.Ltmp3:
0x4e: {  	[sflag:s21] =	ssyncset.done $0x0;
	(pc) =	sbr.rel .LBB2_2-.Ltmp3, $4  }
0x4f: {  	s26 =	sshll.u32 s26, $0x8;
	[sflag:s21] =	ssyncadd.s32 $0xFFFFB000  }
0x50: {  	[tilespmem:s15], [sflag:$0x1] =	stream.indirect.gather [hbm4b:s4+s14], $0x50, s26, s14, $0xb8;
	[tilespmem:$0x17400] =	vst v63  }
0x51: {  	s24 =	sadd.s32 $0x2, s24;
	s25 =	sadd.s32 $0x40, s25  }
0x52: {  	[spmem:s2] =	stream.indirect.scatter.add.bf16 [tilespmem:s18], [sflag:$0x4], $0x50, s19, s14, $0xb8;
	[tilespmem:$0x17400] =	vst v63  }
.LBB2_5:
0x53: {  	_ =	sfence.sel $0x180000  }
0x54: {  	[bflag:$0x0] =	sbarrier.arrive $0xFFFF  }
0x55: {  	p0 =	sne.s32 s1, $0x0;
	_ =	strace $0x9000004A  }
0x56: {  	s0 =	sadd.s32 @!p0 $0x100000, s0;
	[bflag:$0x2] =	sbarrier.arrive $0xFFFF  }
0x57: {  	[sflag:s0] =	ssyncadd.tile.s32 @!p0 $0x1;
	_ =	shalt  }
.Lfunc_end2:
_tile_overlayer_lowered:
.L_overlay_start_2:
0x58: {  	(tag) =	ssettag $0x2  }
0x59: {  	s0 =	rddreg [dreg:$0x0];
	s2 =	stileid.u32  }
0x5a: {  	s1 =	rddreg [dreg:$0x1];
	p0 =	sne.s32 s2, $0x0  }
0x5b: {  	s3 =	rddreg [dreg:$0x2];
	[bflag:$0x3] =	sbarrier.arrive $0xFFFF;
	s2 =	simm.s32 @!p0 $0x1C05  }
0x5c: {  	[timem:s3], [sflag:s2] =	dma.local @!p0 [hbm:s0], s1  }
0x5d: {  	s0 =	simm.s32 @!p0 $0x5  }
0x5e: {  	_ =	swait.ge @!p0 [sflag:s0], s1  }
0x5f: {  	s1 =	ssub.s32 @!p0 $0x0, s1;
	[sflag:s0] =	ssyncset.done @!p0 $0x0  }
0x60: {  	[sflag:s0] =	ssyncadd.s32 @!p0 s1  }
0x61: {  	[bflag:$0x3] =	sbarrier.arrive $0xFFFF  }
0x62: {  	_ =	shalt  }

// kernel: kernel.14.cloned.1.call-start
scs
__scs_entry_jumppad:
0x0: {  	(pc) =	sbr.rel $0x88, $3  }
0x1: {  	(tag) =	ssettag $0x0;
	lr =	simm.s32 $0x1  }
0x2: {  	[smem:$0x3F97] =	sst lr;
	_ =	strace $0xD0000000  }
0x3: {  	_ = 	snop  }
0x4: {  	_ = 	snop  }
0x5: {  	_ = 	snop  }
0x6: {  	_ = 	snop  }
0x7: {  	_ = 	snop  }
__scs_overlays_trampoline_lowered:
0x8: {  	[smem:$0x3FA6] =	sst s0  }
0x9: {  	[smem:$0x3FA7] =	sst s1  }
0xa: {  	[smem:$0x3FA8] =	sst s2  }
0xb: {  	[smem:$0x3FA9] =	sst s3  }
0xc: {  	[smem:$0x3FAA] =	sst s4  }
0xd: {  	[smem:$0x3FAB] =	sst s5  }
0xe: {  	[smem:$0x3FAC] =	sst s6  }
0xf: {  	[smem:$0x3FAD] =	sst s7  }
0x10: {  	[smem:$0x3FAE] =	sst s8  }
0x11: {  	[smem:$0x3FAF] =	sst s9;
	s0 =	simm.s32 @!p0 $0x0  }
0x12: {  	s1 =	sld [smem:$0x3F95];
	s0 =	simm.s32 @p0 $0x1  }
0x13: {  	[smem:$0x3FB0] =	sst s0;
	s0 =	simm.s32 @!p1 $0x0  }
0x14: {  	s2 =	sld [smem:$0x3F94];
	s0 =	simm.s32 @p1 $0x1  }
0x15: {  	[smem:$0x3FB1] =	sst s0;
	s0 =	simm.s32 @!p2 $0x0  }
0x16: {  	s3 =	sld [smem:$0x3FDB];
	s0 =	simm.s32 @p2 $0x1  }
0x17: {  	s4 =	simm.s32 $0x1BF5;
	[smem:$0x3FB3] =	sst s0  }
0x18: {  	s0 =	sld [smem:$0x3F96];
	_ =	swait.ge [sflag:s4], $0x0  }
0x19: {  	s7 =	sld [smem:$0x3F97]  }
0x1a: {  	s8 =	sadd.s32 $0xFFFFE003, lr  }
0x1b: {  	s9 =	sadd.s32 $0xFFFFFEF7, lr;
	s5 =	simm.s32 $0xFFFFFFFF;
	p2 =	slt.u32 s8, $0xFFFFF086  }
0x1c: {  	p1 =	slt.u32 s9, $0xF7A;
	s5 =	simm.s32 @!p2 $0x0  }
0x1d: {  	s5 =	simm.s32 @p1 $0x1;
	p0 =	seq.s32 s7, s2  }
0x1e: {  	s7 =	smul.u32 @!p0 $0xF7A, s2;
	p2 =	seq.s32 @!p0 s5, $0x0  }
0x1f: {  	s9 =	smul.u32 $0xF7A, s1;
	s8 =	simm.s32 @!p0 $0x1BF5;
	p2 =	por !p2, p0  }
0x20: {  	[sflag:s8] =	ssyncset.s32 @!p0 $0xFFFFF086;
	s6 =	sadd.s32 @!p0 s3, s7;
	s7 =	simm.s32 @!p0 $0x108  }
0x21: {  	s3 =	sadd.s32 s3, s9;
	s6 =	sadd.s32 @!p0 $0x88, s6;
	s7 =	simm.s32 @p2 $0x1082  }
0x22: {  	[simem:s7], [sflag:s8] =	dma.local @!p0 [hbm:s6], $0xF7A  }
0x23: {  	s9 =	sor.u32 $0xD0000000, s2;
	s6 =	simm.s32 $0x108;
	_ =	swait.ge @!p0 [sflag:s8], $0x0  }
0x24: {  	s3 =	sadd.s32 $0x88, s3;
	s6 =	simm.s32 @!p1 $0x1082;
	[sflag:s4] =	ssyncset.s32 $0xFFFFF086  }
0x25: {  	[simem:s6], [sflag:s4] =	dma.local [hbm:s3], $0xF7A  }
0x26: {  	[smem:$0x3F97] =	sst s1;
	(tag) =	ssettag s2;
	_ =	strace s9  }
0x27: {  	s1 =	sld [smem:$0x3FA7]  }
0x28: {  	s2 =	sld [smem:$0x3FA8]  }
0x29: {  	s4 =	sld [smem:$0x3FAA]  }
0x2a: {  	p0 =	seq.s32 s5, $0x0;
	s5 =	sld [smem:$0x3FAB]  }
0x2b: {  	s6 =	sld [smem:$0x3FAC]  }
0x2c: {  	s7 =	sld [smem:$0x3FAD]  }
0x2d: {  	s3 =	simm.s32 $0x108;
	s8 =	sld [smem:$0x3FAE]  }
0x2e: {  	s3 =	simm.s32 @!p0 $0x1082;
	s9 =	sld [smem:$0x3FAF]  }
0x2f: {  	lr =	sadd.s32 s0, s3;
	s0 =	sld [smem:$0x3FA6]  }
0x30: {  	s3 =	sld [smem:$0x3FA9]  }
0x31: {  	[smem:$0x3FB2] =	sst s10  }
0x32: {  	s10 =	sld [smem:$0x3FB0];
	_ =	sdelay $0x3  }
0x33: {  	p0 =	seq.s32 s10, $0x1;
	s10 =	sld [smem:$0x3FB2];
	_ =	sdelay $0x3  }
0x34: {  	[smem:$0x3FB2] =	sst s10  }
0x35: {  	s10 =	sld [smem:$0x3FB1];
	_ =	sdelay $0x3  }
0x36: {  	p1 =	seq.s32 s10, $0x1;
	s10 =	sld [smem:$0x3FB2];
	_ =	sdelay $0x3  }
0x37: {  	[smem:$0x3FB2] =	sst s10  }
0x38: {  	s10 =	sld [smem:$0x3FB3]  }
0x39: {  	_ = 	snop;
	(pc) =	sbr.ind lr, $3  }
0x3a: {  	_ = 	snop  }
0x3b: {  	_ = 	snop  }
0x3c: {  	p2 =	seq.s32 s10, $0x1;
	s10 =	sld [smem:$0x3FB2]  }
0x3d: {  	_ =	shalt  }
0x3e: {  	_ =	shalt  }
0x3f: {  	_ =	shalt  }
0x40: {  	_ =	shalt  }
0x41: {  	_ =	shalt  }
0x42: {  	_ =	shalt  }
0x43: {  	_ =	shalt  }
0x44: {  	_ =	shalt  }
0x45: {  	_ =	shalt  }
0x46: {  	_ =	shalt  }
0x47: {  	_ =	shalt  }
0x48: {  	_ =	shalt  }
0x49: {  	_ =	shalt  }
0x4a: {  	_ =	shalt  }
0x4b: {  	_ =	shalt  }
0x4c: {  	_ =	shalt  }
0x4d: {  	_ =	shalt  }
0x4e: {  	_ =	shalt  }
0x4f: {  	_ =	shalt  }
0x50: {  	_ =	shalt  }
0x51: {  	_ =	shalt  }
0x52: {  	_ =	shalt  }
0x53: {  	_ =	shalt  }
0x54: {  	_ =	shalt  }
0x55: {  	_ =	shalt  }
0x56: {  	_ =	shalt  }
0x57: {  	_ =	shalt  }
0x58: {  	_ =	shalt  }
0x59: {  	_ =	shalt  }
0x5a: {  	_ =	shalt  }
0x5b: {  	_ =	shalt  }
0x5c: {  	_ =	shalt  }
0x5d: {  	_ =	shalt  }
0x5e: {  	_ =	shalt  }
0x5f: {  	_ =	shalt  }
0x60: {  	_ =	shalt  }
0x61: {  	_ =	shalt  }
0x62: {  	_ =	shalt  }
0x63: {  	_ =	shalt  }
0x64: {  	_ =	shalt  }
0x65: {  	_ =	shalt  }
0x66: {  	_ =	shalt  }
0x67: {  	_ =	shalt  }
0x68: {  	_ =	shalt  }
0x69: {  	_ =	shalt  }
0x6a: {  	_ =	shalt  }
0x6b: {  	_ =	shalt  }
0x6c: {  	_ =	shalt  }
0x6d: {  	_ =	shalt  }
0x6e: {  	_ =	shalt  }
0x6f: {  	_ =	shalt  }
0x70: {  	_ =	shalt  }
0x71: {  	_ =	shalt  }
0x72: {  	_ =	shalt  }
0x73: {  	_ =	shalt  }
0x74: {  	_ =	shalt  }
0x75: {  	_ =	shalt  }
0x76: {  	_ =	shalt  }
0x77: {  	_ =	shalt  }
0x78: {  	_ =	shalt  }
0x79: {  	_ =	shalt  }
0x7a: {  	_ =	shalt  }
0x7b: {  	_ =	shalt  }
0x7c: {  	_ =	shalt  }
0x7d: {  	_ =	shalt  }
0x7e: {  	_ =	shalt  }
0x7f: {  	_ =	shalt  }
0x80: {  	_ =	shalt  }
0x81: {  	_ =	shalt  }
0x82: {  	_ =	shalt  }
0x83: {  	_ =	shalt  }
0x84: {  	_ =	shalt  }
0x85: {  	_ =	shalt  }
0x86: {  	_ =	shalt  }
0x87: {  	_ =	shalt  }
.Lfunc_end0:
.L_simem_size_0:
called_computation.2_lowered:
.L_overlay_start_0:
0x88: {  	s2 =	sld [smem:$0x3FD9]  }
0x89: {  	s3 =	sld [smem:$0x3FFE];
	_ =	sdelay $0x1  }
0x8a: {  	s1 =	srdreg.scid  }
0x8b: {  	s0 =	sand.u32 $0x1, s1  }
0x8c: {  	s16 =	sshll.u32 s0, $0xA;
	s2 =	sadd.s32 s3, s2  }
0x8d: {  	s2 =	sadd.s32 s2, s16  }
0x8e: {  	[smem:$0x3FBE] =	sst s2  }
0x8f: {  	_ = 	snop  }
0x90: {  	(tm) =	ssettm $0x1  }
0x91: {  	s17 =	sld [smem:$0x3FFB];
	_ =	sdelay $0x3  }
0x92: {  	_ =	strace s17  }
0x93: {  	s2 =	sld [smem:$0x3FFC];
	_ =	sdelay $0x3  }
0x94: {  	_ =	strace s2  }
0x95: {  	s2 =	sld [smem:$0x3FFD];
	_ =	sdelay $0x3  }
0x96: {  	_ =	strace s2  }
0x97: {  	_ =	strace $0x8FFFFFFF  }
0x98: {  	s18 =	sld [smem:$0x3FDB];
	_ =	sdelay $0x1  }
0x99: {  	s19 =	simm.s32 $_scs_section_size  }
0x9a: {  	s4 =	simm.s32 $_size__tile_overlayer_lowered;
	s5 =	simm.s32 $_tile_overlayer_lowered  }
0x9b: {  	s22 =	simm.s32 $0x1BFF;
	s21 =	sshll.u32 s5, $0x1;
	s2 =	sadd.s32 s19, s18  }
0x9c: {  	s6 =	simm.s32 $0x0;
	s20 =	sshll.u32 s4, $0x1;
	s4 =	sadd.s32 s21, s2  }
0x9d: {  	[timem:s6], [sflag:s22] =	dma.local [hbm:s4], s20  }
0x9e: {  	_ =	swait.ge [sflag:s22], s20  }
0x9f: {  	s3 =	ssub.s32 $0x0, s20;
	[sflag:s22] =	ssyncset.done $0x0  }
0xa0: {  	[sflag:s22] =	ssyncadd.s32 s3;
	_ =	sdelay $0x1  }
0xa1: {  	s23 =	simm.s32 $0x1B8B  }
0xa2: {  	_ =	swait.ge [sflag:s23], $0x1  }
0xa3: {  	[sflag:s23] =	ssyncset.done $0x0  }
0xa4: {  	s25 =	simm.s32 $0x1B8E;
	s24 =	sld [smem:$0x3FFE];
	[sflag:s23] =	ssyncadd.s32 $0xFFFFFFFF  }
0xa5: {  	s26 =	simm.s32 $execute0_lowered;
	[smem:$0x3FD2] =	sst s25  }
0xa6: {  	s4 =	sshll.u32 s26, $0x1;
	_ =	strace $0x8000004C;
	[dreg:$0x1] =	wrdreg $0xFFFFFFFF  }
0xa7: {  	s28 =	simm.s32 $_size_execute0_lowered;
	s2 =	sadd.s32 s2, s4;
	[dreg:$0x0] =	wrdreg $0x0  }
0xa8: {  	s4 =	sshll.u32 s28, $0x1;
	[dreg:$0x2] =	wrdreg s2  }
0xa9: {  	[dreg:$0x3] =	wrdreg s4  }
0xaa: {  	[dreg:$0x4] =	wrdreg $0xC0  }
0xab: {  	_ =	task [dreg:s6], $0x5FFFF  }
0xac: {  	[dreg:$0x1] =	wrdreg $0xFFFFFFFF  }
0xad: {  	[dreg:$0x0] =	wrdreg $0x60  }
0xae: {  	[dreg:$0x2] =	wrdreg s24  }
0xaf: {  	[dreg:$0x3] =	wrdreg $0x64000  }
0xb0: {  	[dreg:$0x4] =	wrdreg $0x9  }
0xb1: {  	_ =	task.clear_ibuf [dreg:s6], $0x5FFFF;
	_ =	strace $0x9000004C  }
0xb2: {  	s29 =	simm.s32 $0x9;
	_ =	strace $0x8000004E  }
0xb3: {  	_ =	swait.ge [sflag:s29], $0x1  }
0xb4: {  	[sflag:s29] =	ssyncadd.s32 $0xFFFFFFFF  }
0xb5: {  	_ =	strace $0x9000004E  }
0xb6: {  	_ =	sfence  }
0xb7: {  	s30 =	sld [smem:$0x0];
	_ =	sdelay $0x2  }
0xb8: {  	s31 =	sshll.u32 s1, $0xD;
	s1 =	sshrl.u32 s1, $0x2  }
0xb9: {  	s3 =	sand.u32 $0x4000, s31;
	s1 =	sadd.s32 s1, s30  }
0xba: {  	s0 =	sor.u32 s3, s0;
	s1 =	sshll.u32 s1, $0x11  }
0xbb: {  	s0 =	sor.u32 s1, s0  }
0xbc: {  	s0 =	sadd.s32 $0x8F2B, s0  }
0xbd: {  	[sflag:s0] =	ssyncadd.remote.s32 $0x1  }
0xbe: {  	_ =	sfence.sel $0xFFFF  }
0xbf: {  	[dreg:$0x0] =	wrdreg $0xFFFFFFFF;
	(pc) =	sbr.abs _section_cstart, $3  }
0xc0: {  	[dreg:$0x1] =	wrdreg $0xFFFFFFFF  }
0xc1: {  	_ =	task.clear_ibuf [dreg:s6], $0x2FFFF;
	_ =	strace $0x9FFFFFFF  }
0xc2: {  	(tm) =	ssettm $0x7FFFFFFF  }
0xc3: {  	_ =	shalt  }
tec
execute0_lowered:
.L_overlay_start_1:
0x0: {  	(tag) =	ssettag $0x1  }
0x1: {  	s1 =	srdreg.scid  }
0x2: {  	s0 =	stileid.u32;
	s6 =	rddreg [dreg:$0x0]  }
0x3: {  	s2 =	rddreg [dreg:$0x1];
	s3 =	simm.s32 $0x0;
	s14 =	simm.s32 $0x1400  }
0x4: {  	s15 =	simm.s32 $0x1;
	s16 =	simm.s32 $0x2800;
	s17 =	simm.s32 $0x0  }
0x5: {  	s5 =	sand.u32 $0x1, s1;
	s28 =	sshll.u32 s0, $0x1;
	s8 =	smul.u32 $0x280, s0  }
0x6: {  	[smem:$0x7FF] =	sst s3;
	s4 =	sadd.s32 $0x7600, s6;
	s31 =	sshll.u32 s0, $0x6  }
0x7: {  	s1 =	sor.u32 s5, s28;
	s9 =	smul.u32 $0x2800, s5;
	s5 =	ssub.s32 $0x2, s5  }
0x8: {  	s7 =	smul.u32 $0x280, s1;
	s1 =	rddreg [dreg:$0x2];
	_ =	strace $0x8000004D  }
0x9: {  	s30 =	sshrl.u32 s8, $0x3;
	s11 =	sshrl.u32 s5, $0x1;
	s13 =	sadd.s32 s8, s2  }
0xa: {  	s29 =	sadd.s32 s8, s9;
	s9 =	sadd.s32 s30, s6;
	s11 =	ssub.s32 s5, s11  }
0xb: {  	s10 =	sadd.s32 s7, s6;
	s7 =	sshrl.u32 s29, $0x3;
	s5 =	sadd.s32 $0x6600, s9  }
0xc: {  	s12 =	sadd.s32 s7, s6;
	s6 =	sor.u32 $0x1C02, s31;
	s7 =	sadd.s32 $0x7CA00, s10  }
0xd: {  	s8 =	sadd.s32 $0x1600, s10;
	s10 =	smax.u32 s11, $0x1;
	s11 =	sshrl.u32 s13, $0x3  }
0xe: {  	s13 =	simm.s32 $0x3C00;
	s9 =	sadd.s32 $0x7C00, s12;
	s12 =	simm.s32 $0x2  }
.LBB2_1:
0xf: {  	[spmem:s11], [sflag:s6] =	dma.local [hbm:s5], $0x50  }
0x10: {  	_ =	swait.ge [sflag:s12], $0x50  }
0x11: {  	[sflag:s12] =	ssyncset.done $0x0  }
0x12: {  	[sflag:s12] =	ssyncadd.s32 $0xFFFFFFB0  }
0x13: {  	[tilespmem:s13], [sflag:$0x1] =	stream.linear.gather [hbm4b:s4+s3], $0x2800, $0x38;
	[tilespmem:$0x6680] =	vst v63  }
0x14: {  	_ = 	snop  }
0x15: {  	[tilespmem:s3], [sflag:$0x2] =	stream.linear.gather [hbm4b:s7+s3], $0x1400, $0x38;
	[tilespmem:$0x6680] =	vst v63  }
0x16: {  	_ =	swait.ge [sflag:s12], $0x1400  }
0x17: {  	[sflag:s12] =	ssyncset.done $0x0  }
0x18: {  	[sflag:s12] =	ssyncadd.s32 $0xFFFFEC00  }
0x19: {  	[tilespmem:s14], [sflag:$0x2] =	stream.linear.gather [hbm4b:s8+s3], $0x1400, $0x38;
	[tilespmem:$0x6680] =	vst v63  }
0x1a: {  	_ =	swait.ge [sflag:s12], $0x1400  }
0x1b: {  	[sflag:s12] =	ssyncset.done $0x0  }
0x1c: {  	[sflag:s12] =	ssyncadd.s32 $0xFFFFEC00  }
0x1d: {  	_ =	swait.ge [sflag:s15], $0x2800  }
0x1e: {  	[sflag:s15] =	ssyncset.done $0x0  }
0x1f: {  	s18 =	simm.s32 $0x0;
	[sflag:s15] =	ssyncadd.s32 $0xFFFFD800  }
0x20: {  	v0 =	vld [tilespmem:s18+$0x0];
	_ =	sdelay $0x7  }
0x21: {  	s19 =	simm.s32 $0x10;
	s20 =	simm.s32 $0x80;
	v0 =	vld.idx.msk [tilespmem:v0+s13+$0x0], $0xffff  }
.LBB2_2:
0x22: {  	p0 =	sne.s32 s20, $0x4FC0;
	v1 =	vld [tilespmem:s19+$0x0];
	_ =	sdelay $0x3  }
.Ltmp0:
0x23: {  	(pc) =	sbr.rel @p0 .LBB2_2-.Ltmp0, $2  }
0x24: {  	[tilespmem:s18+$0x2800] =	vst v0;
	s18 =	smov.u32 s19;
	_ =	sdelay $0x2  }
0x25: {  	s19 =	sshra.s32 s20, $0x2;
	s20 =	sadd.s32 $0x40, s20;
	v0 =	vld.idx.msk [tilespmem:v1+s13+$0x0], $0xffff  }
0x26: {  	v1 =	vld [tilespmem:s19+$0x0];
	_ =	sdelay $0x6  }
0x27: {  	[tilespmem:s18+$0x2800] =	vst v0  }
0x28: {  	v0 =	vld.idx.msk [tilespmem:v1+s13+$0x0], $0xffff;
	_ =	sdelay $0x4  }
0x29: {  	[tilespmem:s19+$0x2800] =	vst v0  }
0x2a: {  	[bflag:$0x0] =	sbarrier.arrive $0xFFFF  }
0x2b: {  	[spmem:s2] =	stream.indirect.scatter.add.f32 [tilespmem:s16], [sflag:$0x2], $0x1, s14, s14, $0xb8;
	[tilespmem:$0x6680] =	vst v63  }
0x2c: {  	_ =	swait.ge [sflag:s12], $0x1400  }
0x2d: {  	s17 =	sadd.s32 $0x1, s17;
	[sflag:s12] =	ssyncset.done $0x0  }
0x2e: {  	p0 =	sne.s32 s17, s10;
	[sflag:s12] =	ssyncadd.s32 $0xFFFFEC00  }
.Ltmp1:
0x2f: {  	[bflag:$0x0] =	sbarrier.arrive $0xFFFF;
	(pc) =	sbr.rel @p0 .LBB2_1-.Ltmp1, $4  }
0x30: {  	[hbm:s9], [sflag:s6] =	dma.local [spmem:s11], $0x50  }
0x31: {  	_ =	swait.ge [sflag:s12], $0x50  }
0x32: {  	[sflag:s12] =	ssyncset.done $0x0  }
0x33: {  	[sflag:s12] =	ssyncadd.s32 $0xFFFFFFB0  }
0x34: {  	_ =	sfence.sel $0x180000  }
0x35: {  	[bflag:$0x0] =	sbarrier.arrive $0xFFFF  }
0x36: {  	p0 =	sne.s32 s0, $0x0;
	_ =	strace $0x9000004D  }
0x37: {  	s0 =	sadd.s32 @!p0 $0x100000, s1;
	[bflag:$0x2] =	sbarrier.arrive $0xFFFF  }
0x38: {  	[sflag:s0] =	ssyncadd.tile.s32 @!p0 $0x1;
	_ =	shalt  }
.Lfunc_end2:
_tile_overlayer_lowered:
.L_overlay_start_2:
0x39: {  	(tag) =	ssettag $0x2  }
0x3a: {  	s0 =	rddreg [dreg:$0x0];
	s2 =	stileid.u32  }
0x3b: {  	s1 =	rddreg [dreg:$0x1];
	p0 =	sne.s32 s2, $0x0  }
0x3c: {  	s3 =	rddreg [dreg:$0x2];
	[bflag:$0x3] =	sbarrier.arrive $0xFFFF;
	s2 =	simm.s32 @!p0 $0x1C02  }
0x3d: {  	[timem:s3], [sflag:s2] =	dma.local @!p0 [hbm:s0], s1  }
0x3e: {  	s0 =	simm.s32 @!p0 $0x2  }
0x3f: {  	_ =	swait.ge @!p0 [sflag:s0], s1  }
0x40: {  	s1 =	ssub.s32 @!p0 $0x0, s1;
	[sflag:s0] =	ssyncset.done @!p0 $0x0  }
0x41: {  	[sflag:s0] =	ssyncadd.s32 @!p0 s1  }
0x42: {  	[bflag:$0x3] =	sbarrier.arrive $0xFFFF  }
0x43: {  	_ =	shalt  }

// kernel: kernel.8.cloned.1.call-start
scs
__scs_entry_jumppad:
0x0: {  	(pc) =	sbr.rel $0x88, $3  }
0x1: {  	(tag) =	ssettag $0x0;
	lr =	simm.s32 $0x1  }
0x2: {  	[smem:$0x3F97] =	sst lr;
	_ =	strace $0xD0000000  }
0x3: {  	_ = 	snop  }
0x4: {  	_ = 	snop  }
0x5: {  	_ = 	snop  }
0x6: {  	_ = 	snop  }
0x7: {  	_ = 	snop  }
__scs_overlays_trampoline_lowered:
0x8: {  	[smem:$0x3FA6] =	sst s0  }
0x9: {  	[smem:$0x3FA7] =	sst s1  }
0xa: {  	[smem:$0x3FA8] =	sst s2  }
0xb: {  	[smem:$0x3FA9] =	sst s3  }
0xc: {  	[smem:$0x3FAA] =	sst s4  }
0xd: {  	[smem:$0x3FAB] =	sst s5  }
0xe: {  	[smem:$0x3FAC] =	sst s6  }
0xf: {  	[smem:$0x3FAD] =	sst s7  }
0x10: {  	[smem:$0x3FAE] =	sst s8  }
0x11: {  	[smem:$0x3FAF] =	sst s9;
	s0 =	simm.s32 @!p0 $0x0  }
0x12: {  	s1 =	sld [smem:$0x3F95];
	s0 =	simm.s32 @p0 $0x1  }
0x13: {  	[smem:$0x3FB0] =	sst s0;
	s0 =	simm.s32 @!p1 $0x0  }
0x14: {  	s2 =	sld [smem:$0x3F94];
	s0 =	simm.s32 @p1 $0x1  }
0x15: {  	[smem:$0x3FB1] =	sst s0;
	s0 =	simm.s32 @!p2 $0x0  }
0x16: {  	s3 =	sld [smem:$0x3FDB];
	s0 =	simm.s32 @p2 $0x1  }
0x17: {  	s4 =	simm.s32 $0x1BF5;
	[smem:$0x3FB3] =	sst s0  }
0x18: {  	s0 =	sld [smem:$0x3F96];
	_ =	swait.ge [sflag:s4], $0x0  }
0x19: {  	s7 =	sld [smem:$0x3F97]  }
0x1a: {  	s8 =	sadd.s32 $0xFFFFE003, lr  }
0x1b: {  	s9 =	sadd.s32 $0xFFFFFEF7, lr;
	s5 =	simm.s32 $0xFFFFFFFF;
	p2 =	slt.u32 s8, $0xFFFFF086  }
0x1c: {  	p1 =	slt.u32 s9, $0xF7A;
	s5 =	simm.s32 @!p2 $0x0  }
0x1d: {  	s5 =	simm.s32 @p1 $0x1;
	p0 =	seq.s32 s7, s2  }
0x1e: {  	s7 =	smul.u32 @!p0 $0xF7A, s2;
	p2 =	seq.s32 @!p0 s5, $0x0  }
0x1f: {  	s9 =	smul.u32 $0xF7A, s1;
	s8 =	simm.s32 @!p0 $0x1BF5;
	p2 =	por !p2, p0  }
0x20: {  	[sflag:s8] =	ssyncset.s32 @!p0 $0xFFFFF086;
	s6 =	sadd.s32 @!p0 s3, s7;
	s7 =	simm.s32 @!p0 $0x108  }
0x21: {  	s3 =	sadd.s32 s3, s9;
	s6 =	sadd.s32 @!p0 $0x88, s6;
	s7 =	simm.s32 @p2 $0x1082  }
0x22: {  	[simem:s7], [sflag:s8] =	dma.local @!p0 [hbm:s6], $0xF7A  }
0x23: {  	s9 =	sor.u32 $0xD0000000, s2;
	s6 =	simm.s32 $0x108;
	_ =	swait.ge @!p0 [sflag:s8], $0x0  }
0x24: {  	s3 =	sadd.s32 $0x88, s3;
	s6 =	simm.s32 @!p1 $0x1082;
	[sflag:s4] =	ssyncset.s32 $0xFFFFF086  }
0x25: {  	[simem:s6], [sflag:s4] =	dma.local [hbm:s3], $0xF7A  }
0x26: {  	[smem:$0x3F97] =	sst s1;
	(tag) =	ssettag s2;
	_ =	strace s9  }
0x27: {  	s1 =	sld [smem:$0x3FA7]  }
0x28: {  	s2 =	sld [smem:$0x3FA8]  }
0x29: {  	s4 =	sld [smem:$0x3FAA]  }
0x2a: {  	p0 =	seq.s32 s5, $0x0;
	s5 =	sld [smem:$0x3FAB]  }
0x2b: {  	s6 =	sld [smem:$0x3FAC]  }
0x2c: {  	s7 =	sld [smem:$0x3FAD]  }
0x2d: {  	s3 =	simm.s32 $0x108;
	s8 =	sld [smem:$0x3FAE]  }
0x2e: {  	s3 =	simm.s32 @!p0 $0x1082;
	s9 =	sld [smem:$0x3FAF]  }
0x2f: {  	lr =	sadd.s32 s0, s3;
	s0 =	sld [smem:$0x3FA6]  }
0x30: {  	s3 =	sld [smem:$0x3FA9]  }
0x31: {  	[smem:$0x3FB2] =	sst s10  }
0x32: {  	s10 =	sld [smem:$0x3FB0];
	_ =	sdelay $0x3  }
0x33: {  	p0 =	seq.s32 s10, $0x1;
	s10 =	sld [smem:$0x3FB2];
	_ =	sdelay $0x3  }
0x34: {  	[smem:$0x3FB2] =	sst s10  }
0x35: {  	s10 =	sld [smem:$0x3FB1];
	_ =	sdelay $0x3  }
0x36: {  	p1 =	seq.s32 s10, $0x1;
	s10 =	sld [smem:$0x3FB2];
	_ =	sdelay $0x3  }
0x37: {  	[smem:$0x3FB2] =	sst s10  }
0x38: {  	s10 =	sld [smem:$0x3FB3]  }
0x39: {  	_ = 	snop;
	(pc) =	sbr.ind lr, $3  }
0x3a: {  	_ = 	snop  }
0x3b: {  	_ = 	snop  }
0x3c: {  	p2 =	seq.s32 s10, $0x1;
	s10 =	sld [smem:$0x3FB2]  }
0x3d: {  	_ =	shalt  }
0x3e: {  	_ =	shalt  }
0x3f: {  	_ =	shalt  }
0x40: {  	_ =	shalt  }
0x41: {  	_ =	shalt  }
0x42: {  	_ =	shalt  }
0x43: {  	_ =	shalt  }
0x44: {  	_ =	shalt  }
0x45: {  	_ =	shalt  }
0x46: {  	_ =	shalt  }
0x47: {  	_ =	shalt  }
0x48: {  	_ =	shalt  }
0x49: {  	_ =	shalt  }
0x4a: {  	_ =	shalt  }
0x4b: {  	_ =	shalt  }
0x4c: {  	_ =	shalt  }
0x4d: {  	_ =	shalt  }
0x4e: {  	_ =	shalt  }
0x4f: {  	_ =	shalt  }
0x50: {  	_ =	shalt  }
0x51: {  	_ =	shalt  }
0x52: {  	_ =	shalt  }
0x53: {  	_ =	shalt  }
0x54: {  	_ =	shalt  }
0x55: {  	_ =	shalt  }
0x56: {  	_ =	shalt  }
0x57: {  	_ =	shalt  }
0x58: {  	_ =	shalt  }
0x59: {  	_ =	shalt  }
0x5a: {  	_ =	shalt  }
0x5b: {  	_ =	shalt  }
0x5c: {  	_ =	shalt  }
0x5d: {  	_ =	shalt  }
0x5e: {  	_ =	shalt  }
0x5f: {  	_ =	shalt  }
0x60: {  	_ =	shalt  }
0x61: {  	_ =	shalt  }
0x62: {  	_ =	shalt  }
0x63: {  	_ =	shalt  }
0x64: {  	_ =	shalt  }
0x65: {  	_ =	shalt  }
0x66: {  	_ =	shalt  }
0x67: {  	_ =	shalt  }
0x68: {  	_ =	shalt  }
0x69: {  	_ =	shalt  }
0x6a: {  	_ =	shalt  }
0x6b: {  	_ =	shalt  }
0x6c: {  	_ =	shalt  }
0x6d: {  	_ =	shalt  }
0x6e: {  	_ =	shalt  }
0x6f: {  	_ =	shalt  }
0x70: {  	_ =	shalt  }
0x71: {  	_ =	shalt  }
0x72: {  	_ =	shalt  }
0x73: {  	_ =	shalt  }
0x74: {  	_ =	shalt  }
0x75: {  	_ =	shalt  }
0x76: {  	_ =	shalt  }
0x77: {  	_ =	shalt  }
0x78: {  	_ =	shalt  }
0x79: {  	_ =	shalt  }
0x7a: {  	_ =	shalt  }
0x7b: {  	_ =	shalt  }
0x7c: {  	_ =	shalt  }
0x7d: {  	_ =	shalt  }
0x7e: {  	_ =	shalt  }
0x7f: {  	_ =	shalt  }
0x80: {  	_ =	shalt  }
0x81: {  	_ =	shalt  }
0x82: {  	_ =	shalt  }
0x83: {  	_ =	shalt  }
0x84: {  	_ =	shalt  }
0x85: {  	_ =	shalt  }
0x86: {  	_ =	shalt  }
0x87: {  	_ =	shalt  }
.Lfunc_end0:
.L_simem_size_0:
called_computation_lowered:
.L_overlay_start_0:
0x88: {  	s2 =	sld [smem:$0x3FD9]  }
0x89: {  	s3 =	sld [smem:$0x3FFE];
	_ =	sdelay $0x1  }
0x8a: {  	s1 =	srdreg.scid  }
0x8b: {  	s0 =	sand.u32 $0x1, s1  }
0x8c: {  	s17 =	sshll.u32 s0, $0xA;
	s2 =	sadd.s32 s3, s2  }
0x8d: {  	s2 =	sadd.s32 s2, s17  }
0x8e: {  	[smem:$0x3FBE] =	sst s2  }
0x8f: {  	_ = 	snop  }
0x90: {  	s2 =	sld [smem:$0x3FD0];
	(tm) =	ssettm $0x1  }
0x91: {  	s18 =	sld [smem:$0x3FFB];
	_ =	sdelay $0x3  }
0x92: {  	_ =	strace s18  }
0x93: {  	s3 =	sld [smem:$0x3FFC];
	_ =	sdelay $0x3  }
0x94: {  	_ =	strace s3  }
0x95: {  	s3 =	sld [smem:$0x3FFD];
	_ =	sdelay $0x3  }
0x96: {  	_ =	strace s3  }
0x97: {  	_ =	strace $0x8FFFFFFF  }
0x98: {  	s19 =	sld [smem:$0x3FDB];
	_ =	sdelay $0x1  }
0x99: {  	s4 =	simm.s32 $_scs_section_size  }
0x9a: {  	s5 =	simm.s32 $_size__tile_overlayer_lowered;
	s6 =	simm.s32 $_tile_overlayer_lowered  }
0x9b: {  	s22 =	simm.s32 $0x1BFF;
	s21 =	sshll.u32 s6, $0x1;
	s3 =	sadd.s32 s4, s19  }
0x9c: {  	s7 =	simm.s32 $0x0;
	s20 =	sshll.u32 s5, $0x1;
	s5 =	sadd.s32 s21, s3  }
0x9d: {  	[timem:s7], [sflag:s22] =	dma.local [hbm:s5], s20  }
0x9e: {  	_ =	swait.ge [sflag:s22], s20  }
0x9f: {  	s4 =	ssub.s32 $0x0, s20;
	[sflag:s22] =	ssyncset.done $0x0  }
0xa0: {  	[sflag:s22] =	ssyncadd.s32 s4;
	_ =	sdelay $0x1  }
0xa1: {  	s23 =	simm.s32 $0x1B8B  }
0xa2: {  	_ =	swait.ge [sflag:s23], $0x1  }
0xa3: {  	[sflag:s23] =	ssyncset.done $0x0  }
0xa4: {  	s25 =	simm.s32 $0x1B8E;
	s24 =	sld [smem:$0x3FFE];
	[sflag:s23] =	ssyncadd.s32 $0xFFFFFFFF  }
0xa5: {  	s26 =	simm.s32 $execute0_lowered;
	[smem:$0x3FD2] =	sst s25  }
0xa6: {  	s5 =	sshll.u32 s26, $0x1;
	_ =	strace $0x80000046;
	[dreg:$0x1] =	wrdreg $0xFFFFFFFF  }
0xa7: {  	s28 =	simm.s32 $_size_execute0_lowered;
	s3 =	sadd.s32 s3, s5;
	[dreg:$0x0] =	wrdreg $0x0  }
0xa8: {  	s5 =	sshll.u32 s28, $0x1;
	[dreg:$0x2] =	wrdreg s3  }
0xa9: {  	[dreg:$0x3] =	wrdreg s5  }
0xaa: {  	[dreg:$0x4] =	wrdreg $0xC0  }
0xab: {  	_ =	task [dreg:s7], $0x5FFFF  }
0xac: {  	[dreg:$0x1] =	wrdreg $0xFFFFFFFF  }
0xad: {  	[dreg:$0x0] =	wrdreg $0x60  }
0xae: {  	[dreg:$0x2] =	wrdreg s24  }
0xaf: {  	[dreg:$0x3] =	wrdreg s2  }
0xb0: {  	[dreg:$0x4] =	wrdreg $0x28000  }
0xb1: {  	[dreg:$0x5] =	wrdreg $0x9  }
0xb2: {  	_ =	task.clear_ibuf [dreg:s7], $0x6FFFF;
	_ =	strace $0x90000046  }
0xb3: {  	s29 =	simm.s32 $0x9;
	_ =	strace $0x80000048  }
0xb4: {  	_ =	swait.ge [sflag:s29], $0x1  }
0xb5: {  	[sflag:s29] =	ssyncadd.s32 $0xFFFFFFFF  }
0xb6: {  	_ =	strace $0x90000048  }
0xb7: {  	_ =	sfence  }
0xb8: {  	s30 =	sld [smem:$0x0];
	_ =	sdelay $0x2  }
0xb9: {  	s31 =	sshll.u32 s1, $0xD;
	s1 =	sshrl.u32 s1, $0x2  }
0xba: {  	s3 =	sand.u32 $0x4000, s31;
	s1 =	sadd.s32 s1, s30  }
0xbb: {  	s0 =	sor.u32 s3, s0;
	s1 =	sshll.u32 s1, $0x11  }
0xbc: {  	s0 =	sor.u32 s1, s0  }
0xbd: {  	s0 =	sadd.s32 $0x8F2B, s0  }
0xbe: {  	[sflag:s0] =	ssyncadd.remote.s32 $0x1  }
0xbf: {  	_ =	sfence.sel $0xFFFF  }
0xc0: {  	[dreg:$0x0] =	wrdreg $0xFFFFFFFF;
	(pc) =	sbr.abs _section_cstart, $3  }
0xc1: {  	[dreg:$0x1] =	wrdreg $0xFFFFFFFF  }
0xc2: {  	_ =	task.clear_ibuf [dreg:s7], $0x2FFFF;
	_ =	strace $0x9FFFFFFF  }
0xc3: {  	(tm) =	ssettm $0x7FFFFFFF  }
tec
execute0_lowered:
.L_overlay_start_1:
0x0: {  	(tag) =	ssettag $0x1  }
0x1: {  	s11 =	rddreg [dreg:$0x0]  }
0x2: {  	s2 =	rddreg [dreg:$0x1]  }
0x3: {  	s0 =	stileid.u32;
	s3 =	rddreg [dreg:$0x2]  }
0x4: {  	s1 =	rddreg [dreg:$0x3];
	s4 =	simm.s32 $0x0;
	s12 =	smul.u32 $0x280, s0  }
0x5: {  	s9 =	srdreg.scid;
	[smem:$0x7FF] =	sst s4  }
0x6: {  	s6 =	sshll.u32 s0, $0x6;
	_ =	strace $0x80000047;
	s5 =	sshrl.u32 s12, $0x3  }
0x7: {  	s6 =	sor.u32 $0x1C01, s6;
	s7 =	sadd.s32 s12, s3;
	s5 =	sadd.s32 s5, s11  }
0x8: {  	s8 =	sshrl.u32 s7, $0x3;
	s7 =	simm.s32 $0x1;
	s5 =	sadd.s32 $0x6600, s5  }
0x9: {  	[spmem:s8], [sflag:s6] =	dma.local [hbm:s5], $0x50  }
0xa: {  	s13 =	sand.u32 $0x1, s9;
	s29 =	sshll.u32 s0, $0x1;
	_ =	swait.ge [sflag:s7], $0x50  }
0xb: {  	s9 =	sor.u32 s13, s29;
	[sflag:s7] =	ssyncset.done $0x0  }
0xc: {  	s10 =	smul.u32 $0x280, s9;
	s9 =	simm.s32 $0x1400;
	[sflag:s7] =	ssyncadd.s32 $0xFFFFFFB0  }
0xd: {  	[tilespmem:s9], [sflag:$0x1] =	stream.linear.gather [hbm4b:s2+s4], $0x1400, $0x38;
	[tilespmem:$0x2A80] =	vst v63  }
0xe: {  	_ =	swait.ge [sflag:s7], $0x1400  }
0xf: {  	s10 =	sadd.s32 s10, s11;
	[sflag:s7] =	ssyncset.done $0x0  }
0x10: {  	s10 =	sadd.s32 $0x1600, s10;
	[sflag:s7] =	ssyncadd.s32 $0xFFFFEC00  }
0x11: {  	[tilespmem:s4], [sflag:$0x1] =	stream.linear.gather [hbm4b:s10+s4], $0x1400, $0x38;
	[tilespmem:$0x2A80] =	vst v63  }
0x12: {  	s14 =	smul.u32 $0x2800, s13;
	_ =	swait.ge [sflag:s7], $0x1400  }
0x13: {  	s13 =	ssub.s32 $0x2, s13;
	[sflag:s7] =	ssyncset.done $0x0  }
0x14: {  	s30 =	sshrl.u32 s13, $0x1;
	s12 =	sadd.s32 s12, s14;
	[sflag:s7] =	ssyncadd.s32 $0xFFFFEC00  }
0x15: {  	s31 =	ssub.s32 s13, s30;
	s12 =	sshrl.u32 s12, $0x3;
	[bflag:$0x0] =	sbarrier.arrive $0xFFFF  }
0x16: {  	[spmem:s3] =	stream.indirect.scatter.add.f32 [tilespmem:s9], [sflag:$0x1], $0x1, s4, s9, $0xb8;
	[tilespmem:$0x2A80] =	vst v63  }
0x17: {  	s11 =	sadd.s32 s12, s11;
	s12 =	smax.u32 s31, $0x1;
	_ =	swait.ge [sflag:s7], $0x1400  }
0x18: {  	p0 =	sne.s32 s12, $0x1;
	[sflag:s7] =	ssyncset.done $0x0  }
.Ltmp0:
0x19: {  	[sflag:s7] =	ssyncadd.s32 $0xFFFFEC00;
	(pc) =	sbr.rel @!p0 .LBB2_2-.Ltmp0, $4  }
0x1a: {  	s11 =	sadd.s32 $0x6C00, s11;
	[bflag:$0x0] =	sbarrier.arrive $0xFFFF  }
0x1b: {  	[hbm:s11], [sflag:s6] =	dma.local [spmem:s8], $0x50  }
0x1c: {  	_ =	swait.ge [sflag:s7], $0x50  }
0x1d: {  	s12 =	sadd.s32 $0xFFFFFFFF, s12;
	[sflag:s7] =	ssyncset.done $0x0  }
.LBB2_1:
0x1e: {  	p0 =	sne.s32 s12, $0x1;
	s12 =	sadd.s32 $0xFFFFFFFF, s12;
	[sflag:s7] =	ssyncadd.s32 $0xFFFFFFB0  }
0x1f: {  	[spmem:s8], [sflag:s6] =	dma.local [hbm:s5], $0x50  }
0x20: {  	_ =	swait.ge [sflag:s7], $0x50  }
0x21: {  	[sflag:s7] =	ssyncset.done $0x0  }
0x22: {  	[sflag:s7] =	ssyncadd.s32 $0xFFFFFFB0  }
0x23: {  	[tilespmem:s9], [sflag:$0x1] =	stream.linear.gather [hbm4b:s2+s4], $0x1400, $0x38;
	[tilespmem:$0x2A80] =	vst v63  }
0x24: {  	_ =	swait.ge [sflag:s7], $0x1400  }
0x25: {  	[sflag:s7] =	ssyncset.done $0x0  }
0x26: {  	[sflag:s7] =	ssyncadd.s32 $0xFFFFEC00  }
0x27: {  	[tilespmem:s4], [sflag:$0x1] =	stream.linear.gather [hbm4b:s10+s4], $0x1400, $0x38;
	[tilespmem:$0x2A80] =	vst v63  }
0x28: {  	_ =	swait.ge [sflag:s7], $0x1400  }
0x29: {  	[sflag:s7] =	ssyncset.done $0x0  }
0x2a: {  	[sflag:s7] =	ssyncadd.s32 $0xFFFFEC00  }
0x2b: {  	[bflag:$0x0] =	sbarrier.arrive $0xFFFF  }
0x2c: {  	[spmem:s3] =	stream.indirect.scatter.add.f32 [tilespmem:s9], [sflag:$0x1], $0x1, s4, s9, $0xb8;
	[tilespmem:$0x2A80] =	vst v63  }
0x2d: {  	_ =	swait.ge [sflag:s7], $0x1400  }
0x2e: {  	[sflag:s7] =	ssyncset.done $0x0  }
.Ltmp1:
0x2f: {  	[sflag:s7] =	ssyncadd.s32 $0xFFFFEC00;
	(pc) =	sbr.rel @p0 .LBB2_1-.Ltmp1, $4  }
0x30: {  	[bflag:$0x0] =	sbarrier.arrive $0xFFFF  }
0x31: {  	[hbm:s11], [sflag:s6] =	dma.local [spmem:s8], $0x50  }
0x32: {  	_ =	swait.ge [sflag:s7], $0x50  }
0x33: {  	[sflag:s7] =	ssyncset.done $0x0  }
.LBB2_2:
0x34: {  	[sflag:s7] =	ssyncadd.s32 $0xFFFFFFB0  }
0x35: {  	_ =	sfence.sel $0x180000  }
0x36: {  	[bflag:$0x0] =	sbarrier.arrive $0xFFFF  }
0x37: {  	p0 =	sne.s32 s0, $0x0;
	_ =	strace $0x90000047  }
0x38: {  	s0 =	sadd.s32 @!p0 $0x100000, s1;
	[bflag:$0x2] =	sbarrier.arrive $0xFFFF  }
0x39: {  	[sflag:s0] =	ssyncadd.tile.s32 @!p0 $0x1;
	_ =	shalt  }
.Lfunc_end2:
_tile_overlayer_lowered:
.L_overlay_start_2:
0x3a: {  	(tag) =	ssettag $0x2  }
0x3b: {  	s0 =	rddreg [dreg:$0x0];
	s2 =	stileid.u32  }
0x3c: {  	s1 =	rddreg [dreg:$0x1];
	p0 =	sne.s32 s2, $0x0  }
0x3d: {  	s3 =	rddreg [dreg:$0x2];
	[bflag:$0x3] =	sbarrier.arrive $0xFFFF;
	s2 =	simm.s32 @!p0 $0x1C01  }
0x3e: {  	[timem:s3], [sflag:s2] =	dma.local @!p0 [hbm:s0], s1  }
0x3f: {  	s0 =	simm.s32 @!p0 $0x1  }
0x40: {  	_ =	swait.ge @!p0 [sflag:s0], s1  }
0x41: {  	s1 =	ssub.s32 @!p0 $0x0, s1;
	[sflag:s0] =	ssyncset.done @!p0 $0x0  }
0x42: {  	[sflag:s0] =	ssyncadd.s32 @!p0 s1  }
0x43: {  	[bflag:$0x3] =	sbarrier.arrive $0xFFFF  }
0x44: {  	_ =	shalt  }

</sc_bundles>
